<compile_context>
chip_gen: v7x
topology: tpu7x:2x2x1
jax: 0.10.2.dev20260603
libtpu: 0.0.44.dev20260713+nightly
codegen_flags: <defaults>
</compile_context>

<pallas_src>
import functools

import jax
import jax.numpy as jnp
from jax import lax
from jax.experimental import pallas as pl
from jax.experimental.pallas import tpu as pltpu
from jax.experimental.pallas import tpu_sc as plsc

_CH = 128
_BI = 40


@functools.lru_cache(maxsize=None)
def _make_agg(n_pad, d, n_chunks, edge_split):
    cpt = n_chunks // (32 if edge_split else 16)
    rpt = n_pad // 16
    mesh = plsc.VectorSubcoreMesh(core_axis_name="c", subcore_axis_name="s")

    def body(t_lo, t_hi, src2d, dst2d, out_lo, out_hi,
             acc, sidx, didx, rows_a, rows_b, gs_a, gs_b, ss_a, ss_b):
        cid = lax.axis_index("c")
        sid = lax.axis_index("s")

        def run(table, out):
            pltpu.sync_copy(table.at[pl.ds(sid * rpt, rpt)],
                            acc.at[pl.ds(sid * rpt, rpt)])
            plsc.subcore_barrier()
            if edge_split:
                cbase = (cid * 16 + sid) * cpt
            else:
                cbase = sid * cpt

            def fire_g(j, rows, sem):
                return pltpu.async_copy(table.at[sidx.at[j]], rows, sem)

            def fire_s(j, rows, sem):
                return pltpu.async_copy(rows, acc.at[didx.at[j]], sem, add=True)

            def blk_body(bk, carry):
                pltpu.sync_copy(src2d.at[pl.ds(cbase + bk * _BI, _BI)], sidx)
                pltpu.sync_copy(dst2d.at[pl.ds(cbase + bk * _BI, _BI)], didx)
                fire_g(0, rows_a, gs_a)
                fire_g(1, rows_b, gs_b)

                def pair(k, c2):
                    a = 2 * k
                    pltpu.make_async_copy(table.at[sidx.at[a]], rows_a, gs_a).wait()
                    fire_s(a, rows_a, ss_a)
                    pltpu.make_async_copy(rows_a, acc.at[didx.at[a]], ss_a).wait()
                    fire_g(a + 2, rows_a, gs_a)
                    pltpu.make_async_copy(table.at[sidx.at[a + 1]], rows_b, gs_b).wait()
                    fire_s(a + 1, rows_b, ss_b)
                    pltpu.make_async_copy(rows_b, acc.at[didx.at[a + 1]], ss_b).wait()
                    fire_g(a + 3, rows_b, gs_b)
                    return c2

                lax.fori_loop(0, _BI // 2 - 1, pair, 0)
                a = _BI - 2
                pltpu.make_async_copy(table.at[sidx.at[a]], rows_a, gs_a).wait()
                fire_s(a, rows_a, ss_a)
                pltpu.make_async_copy(table.at[sidx.at[a + 1]], rows_b, gs_b).wait()
                fire_s(a + 1, rows_b, ss_b)
                pltpu.make_async_copy(rows_a, acc.at[didx.at[a]], ss_a).wait()
                pltpu.make_async_copy(rows_b, acc.at[didx.at[a + 1]], ss_b).wait()
                return carry

            lax.fori_loop(0, cpt // _BI, blk_body, 0)
            plsc.subcore_barrier()
            pltpu.sync_copy(acc.at[pl.ds(sid * rpt, rpt)],
                            out.at[pl.ds(sid * rpt, rpt)])

        if edge_split:
            pl.when(cid == 0)(lambda: run(t_lo, out_lo))
            pl.when(cid == 1)(lambda: run(t_lo, out_hi))
        else:
            pl.when(cid == 0)(lambda: run(t_lo, out_lo))
            pl.when(cid == 1)(lambda: run(t_hi, out_hi))

    return pl.kernel(
        body,
        out_type=(jax.ShapeDtypeStruct((n_pad, d), jnp.float32),
                  jax.ShapeDtypeStruct((n_pad, d), jnp.float32)),
        mesh=mesh,
        scratch_types=[
            pltpu.VMEM_SHARED((n_pad, d), jnp.float32),
            pltpu.VMEM((_BI, _CH), jnp.int32),
            pltpu.VMEM((_BI, _CH), jnp.int32),
            pltpu.VMEM((_CH, d), jnp.float32),
            pltpu.VMEM((_CH, d), jnp.float32),
            pltpu.SemaphoreType.DMA,
            pltpu.SemaphoreType.DMA,
            pltpu.SemaphoreType.DMA,
            pltpu.SemaphoreType.DMA,
        ],
    )


def _row_tile(n):
    for r in (512, 400, 256, 200, 128, 80, 40, 16, 8):
        if n % r == 0:
            return r
    return 1


def _mlp1(n, a0, a1, x, w_a, b_a, w_b, b_b, eps):
    n_pad = a0.shape[0]
    din = w_a.shape[0]
    dout = w_b.shape[1]
    r = _row_tile(n)
    ce = eps - 1.0

    def body(a0r, a1r, xr, wa, ba, wb, bb, o_lo, o_hi):
        h0 = a0r[...] + a1r[...] + ce * xr[...]
        z = jnp.dot(h0, wa[...], preferred_element_type=jnp.float32) + ba[...]
        z = jnp.maximum(z, 0.0)
        z = jnp.dot(z, wb[...], preferred_element_type=jnp.float32) + bb[...]
        z = jnp.maximum(z, 0.0)
        o_lo[...] = z[:, : dout // 2]
        o_hi[...] = z[:, dout // 2:]

    row_spec = lambda cols: pl.BlockSpec((r, cols), lambda i: (i, 0))
    full = lambda arr: pl.BlockSpec(arr.shape, lambda i: (0,) * arr.ndim)
    return pl.pallas_call(
        body,
        grid=(n // r,),
        in_specs=[row_spec(din), row_spec(din), row_spec(din),
                  full(w_a), full(b_a), full(w_b), full(b_b)],
        out_specs=[row_spec(dout // 2), row_spec(dout // 2)],
        out_shape=(jax.ShapeDtypeStruct((n_pad, dout // 2), jnp.float32),
                   jax.ShapeDtypeStruct((n_pad, dout // 2), jnp.float32)),
    )(a0, a1, x, w_a, b_a, w_b, b_b)


def _mlp2(n, g_lo, g_hi, h_lo, h_hi, w_a, b_a, w_b, b_b, eps):
    dout = w_b.shape[1]
    hd = g_lo.shape[1]
    r = _row_tile(n)

    def body(gl, gh, hl, hh, wa, ba, wb, bb, o):
        h0 = jnp.concatenate([gl[...] + eps * hl[...],
                              gh[...] + eps * hh[...]], axis=1)
        z = jnp.dot(h0, wa[...], preferred_element_type=jnp.float32) + ba[...]
        z = jnp.maximum(z, 0.0)
        o[...] = jnp.dot(z, wb[...], preferred_element_type=jnp.float32) + bb[...]

    row_spec = lambda cols: pl.BlockSpec((r, cols), lambda i: (i, 0))
    full = lambda arr: pl.BlockSpec(arr.shape, lambda i: (0,) * arr.ndim)
    return pl.pallas_call(
        body,
        grid=(n // r,),
        in_specs=[row_spec(hd), row_spec(hd), row_spec(hd), row_spec(hd),
                  full(w_a), full(b_a), full(w_b), full(b_b)],
        out_specs=pl.BlockSpec((r, dout), lambda i: (i, 0)),
        out_shape=jax.ShapeDtypeStruct((n, dout), jnp.float32),
    )(g_lo, g_hi, h_lo, h_hi, w_a, b_a, w_b, b_b)


def kernel(x, edge_index, W1, b1, W2, b2, W3, b3, W4, b4):
    n, f_in = x.shape
    e = edge_index.shape[1]
    src = edge_index[0].astype(jnp.int32)
    dst = edge_index[1].astype(jnp.int32)

    e_pad = -(-e // (32 * 8 * _CH)) * (32 * 8 * _CH)
    n_pad = -(-n // 128) * 128
    pad = e_pad - e
    src2d = jnp.concatenate([src, jnp.zeros((pad,), jnp.int32)]).reshape(-1, _CH)
    dst2d = jnp.concatenate([dst, jnp.full((pad,), n, jnp.int32)]).reshape(-1, _CH)
    n_chunks = e_pad // _CH

    def row_pad(arr):
        return jnp.concatenate([arr, jnp.zeros((n_pad - n, arr.shape[1]), arr.dtype)])

    x_p = row_pad(x)
    b1r, b2r, b3r, b4r = (b.reshape(1, -1) for b in (b1, b2, b3, b4))

    a0, a1 = _make_agg(n_pad, f_in, n_chunks, True)(x_p, x_p, src2d, dst2d)
    h_lo, h_hi = _mlp1(n, a0, a1, x_p, W1, b1r, W2, b2r, 1e-09)
    hh = W2.shape[1] // 2
    g_lo, g_hi = _make_agg(n_pad, hh, n_chunks, False)(h_lo, h_hi, src2d, dst2d)
    out = _mlp2(n, g_lo, g_hi, h_lo, h_hi, W3, b3r, W4, b4r, 1e-13)
    return out

# --- scband reference (transcript-rebuilt; emitter-appended) ---
"""Pipeline reference for scband-gin-net-72060961292397 (READ-ONLY COPY).

The authoritative reference and input builder live on the scoring server;
editing this copy changes nothing except your own understanding.
"""

import jax, jax.numpy as jnp
import numpy as np

N_NODES = 10000
N_EDGES = 320000
IN_CH = 128
HIDDEN = 256
OUT_CH = 128


def setup_inputs(seed: int = 0) -> dict:
    key = jax.random.key(seed)
    ks = jax.random.split(key, 10)
    x = jax.random.normal(ks[0], (N_NODES, IN_CH), dtype=jnp.float32)
    edge_index = jax.random.randint(ks[1], (2, N_EDGES), 0, N_NODES, dtype=jnp.int64)
    def lin(k, fan_in, fan_out):
        bound = 1.0 / np.sqrt(fan_in)
        kw, kb = jax.random.split(k)
        W = jax.random.uniform(kw, (fan_in, fan_out), minval=-bound, maxval=bound, dtype=jnp.float32)
        b = jax.random.uniform(kb, (fan_out,), minval=-bound, maxval=bound, dtype=jnp.float32)
        return W, b
    W1, b1 = lin(ks[2], IN_CH, HIDDEN)
    W2, b2 = lin(ks[3], HIDDEN, HIDDEN)
    W3, b3 = lin(ks[4], HIDDEN, HIDDEN)
    W4, b4 = lin(ks[5], HIDDEN, OUT_CH)
    return {"x": x, "edge_index": edge_index, "W1": W1, "b1": b1, "W2": W2, "b2": b2,
            "W3": W3, "b3": b3, "W4": W4, "b4": b4}


def _gin_conv(x, edge_index, eps, W_a, b_a, W_b, b_b):
    src = edge_index[0]
    dst = edge_index[1]
    agg = jnp.zeros_like(x).at[dst].add(x[src])
    h = (1.0 + eps) * x + agg
    h = h @ W_a + b_a
    h = jax.nn.relu(h)
    h = h @ W_b + b_b
    return h


def reference(x, edge_index, W1, b1, W2, b2, W3, b3, W4, b4):
    h = _gin_conv(x, edge_index, 1e-09, W1, b1, W2, b2)
    h = jax.nn.relu(h)
    # dropout is identity in eval / deterministic reference
    out = _gin_conv(h, edge_index, 1e-13, W3, b3, W4, b4)
    return out

if __name__ == "__main__":
    import jax
    _d = setup_inputs()
    print(jax.jit(kernel)(*tuple(_d.values())))

</pallas_src>

<mosaic_0001>
#map = affine_map<(d0, d1) -> (0, 0)>
module attributes {stable_mosaic.version = 14 : i64} {
  func.func @body(%arg0: i32, %arg1: i32, %arg2: memref<10112x128xf32, #tpu.memory_space<hbm>>, %arg3: memref<10112x128xf32, #tpu.memory_space<hbm>>, %arg4: memref<2560x128xi32, #tpu.memory_space<hbm>>, %arg5: memref<2560x128xi32, #tpu.memory_space<hbm>>, %arg6: memref<10112x128xf32, #tpu.memory_space<hbm>>, %arg7: memref<10112x128xf32, #tpu.memory_space<hbm>>, %arg8: memref<10112x128xf32, #tpu.memory_space<vmem_shared>>, %arg9: memref<40x128xi32, #tpu.memory_space<vmem>>, %arg10: memref<40x128xi32, #tpu.memory_space<vmem>>, %arg11: memref<128x128xf32, #tpu.memory_space<vmem>>, %arg12: memref<128x128xf32, #tpu.memory_space<vmem>>, %arg13: memref<!tpu.dma_semaphore, #tpu.memory_space<semaphore_mem>>, %arg14: memref<!tpu.dma_semaphore, #tpu.memory_space<semaphore_mem>>, %arg15: memref<!tpu.dma_semaphore, #tpu.memory_space<semaphore_mem>>, %arg16: memref<!tpu.dma_semaphore, #tpu.memory_space<semaphore_mem>>) attributes {dimension_semantics = [#tpu.dimension_semantics<core_parallel>, #tpu.dimension_semantics<subcore_parallel>], iteration_bounds = array<i64: 2, 16>, scalar_prefetch = 0 : i64, scratch_operands = 9 : i64, tpu.core_type = #tpu.core_type<sc_vector_subcore>, window_params = [{transform_indices = #map}, {transform_indices = #map}, {transform_indices = #map}, {transform_indices = #map}, {transform_indices = #map}, {transform_indices = #map}]} {
    %eq3A = arith.constant 0 : i32
    %eq3A_0 = arith.cmpi eq, %arg0, %eq3A : i32
    %convert_element_type3A = arith.extui %eq3A_0 : i1 to i32
    %cond3A = arith.constant 0 : i32
    %cond3A_1 = arith.cmpi ne, %convert_element_type3A, %cond3A : i32
    scf.if %cond3A_1 {
      %mul3A = arith.constant 632 : i32
      %mul3A_7 = arith.muli %arg1, %mul3A : i32
      %mul3A_8 = arith.constant 632 : i32
      %mul3A_9 = arith.muli %arg1, %mul3A_8 : i32
      "tpu.region"() ({
        %run_scoped3A = tpu.sem_alloc : memref<!tpu.dma_semaphore, #tpu.memory_space<semaphore_mem>>
        %dma_start3A = arith.constant 0 : i32
        %dma_start3A_22 = tpu.memref_slice %arg8[%mul3A_9, %dma_start3A] : memref<10112x128xf32, #tpu.memory_space<vmem_shared>> -> memref<632x128xf32, #tpu.memory_space<vmem_shared>>
        %dma_start3A_23 = arith.constant 0 : i32
        %dma_start3A_24 = tpu.memref_slice %arg2[%mul3A_7, %dma_start3A_23] : memref<10112x128xf32, #tpu.memory_space<hbm>> -> memref<632x128xf32, #tpu.memory_space<hbm>>
        tpu.enqueue_dma source(%dma_start3A_24 : memref<632x128xf32, #tpu.memory_space<hbm>>) target(%dma_start3A_22 : memref<632x128xf32, #tpu.memory_space<vmem_shared>>) target_semaphore(%run_scoped3A : memref<!tpu.dma_semaphore, #tpu.memory_space<semaphore_mem>>)
        %dma_wait3A = arith.constant 0 : i32
        %dma_wait3A_25 = tpu.memref_slice %arg8[%mul3A_9, %dma_wait3A] : memref<10112x128xf32, #tpu.memory_space<vmem_shared>> -> memref<632x128xf32, #tpu.memory_space<vmem_shared>>
        %dma_wait3A_26 = arith.constant 0 : i32
        %dma_wait3A_27 = tpu.memref_slice %arg2[%mul3A_7, %dma_wait3A_26] : memref<10112x128xf32, #tpu.memory_space<hbm>> -> memref<632x128xf32, #tpu.memory_space<hbm>>
        tpu.wait_dma2 semaphore(%run_scoped3A : memref<!tpu.dma_semaphore, #tpu.memory_space<semaphore_mem>>) src(%dma_wait3A_27 : memref<632x128xf32, #tpu.memory_space<hbm>>) dst(%dma_wait3A_25 : memref<632x128xf32, #tpu.memory_space<vmem_shared>>)
        tpu.yield
      }) : () -> ()
      %barrier3A = arith.constant 0 : index
      tpu.barrier barrier_id(%barrier3A)
      %mul3A_10 = arith.constant 160 : i32
      %mul3A_11 = arith.muli %arg1, %mul3A_10 : i32
      %scan3A = arith.constant 0 : i32
      %scan3A_12 = arith.constant 0 : i32
      %scan3A_13 = arith.constant 4 : i32
      %scan3A_14 = arith.addi %scan3A_12, %scan3A_13 : i32
      %scan3A_15 = arith.constant 1 : i32
      scf.for %scan3A_22 = %scan3A_12 to %scan3A_14 step %scan3A_15  : i32 {
        %mul3A_23 = arith.constant 40 : i32
        %mul3A_24 = arith.muli %scan3A_22, %mul3A_23 : i32
        %add3A = arith.addi %mul3A_11, %mul3A_24 : i32
        "tpu.region"() ({
          %run_scoped3A = tpu.sem_alloc : memref<!tpu.dma_semaphore, #tpu.memory_space<semaphore_mem>>
          %dma_start3A_88 = arith.constant 0 : i32
          %dma_start3A_89 = tpu.memref_slice %arg4[%add3A, %dma_start3A_88] : memref<2560x128xi32, #tpu.memory_space<hbm>> -> memref<40x128xi32, #tpu.memory_space<hbm>>
          %dma_start3A_90 = arith.constant 0 : i32
          %dma_start3A_91 = tpu.memref_slice %arg4[%add3A, %dma_start3A_90] : memref<2560x128xi32, #tpu.memory_space<hbm>> -> memref<40x128xi32, #tpu.memory_space<hbm>>
          tpu.enqueue_dma source(%dma_start3A_91 : memref<40x128xi32, #tpu.memory_space<hbm>>) target(%arg9 : memref<40x128xi32, #tpu.memory_space<vmem>>) target_semaphore(%run_scoped3A : memref<!tpu.dma_semaphore, #tpu.memory_space<semaphore_mem>>)
          %dma_wait3A_92 = arith.constant 0 : i32
          %dma_wait3A_93 = tpu.memref_slice %arg4[%add3A, %dma_wait3A_92] : memref<2560x128xi32, #tpu.memory_space<hbm>> -> memref<40x128xi32, #tpu.memory_space<hbm>>
          %dma_wait3A_94 = arith.constant 0 : i32
          %dma_wait3A_95 = tpu.memref_slice %arg4[%add3A, %dma_wait3A_94] : memref<2560x128xi32, #tpu.memory_space<hbm>> -> memref<40x128xi32, #tpu.memory_space<hbm>>
          tpu.wait_dma2 semaphore(%run_scoped3A : memref<!tpu.dma_semaphore, #tpu.memory_space<semaphore_mem>>) src(%dma_wait3A_95 : memref<40x128xi32, #tpu.memory_space<hbm>>) dst(%arg9 : memref<40x128xi32, #tpu.memory_space<vmem>>)
          tpu.yield
        }) : () -> ()
        %mul3A_25 = arith.constant 40 : i32
        %mul3A_26 = arith.muli %scan3A_22, %mul3A_25 : i32
        %add3A_27 = arith.addi %mul3A_11, %mul3A_26 : i32
        "tpu.region"() ({
          %run_scoped3A = tpu.sem_alloc : memref<!tpu.dma_semaphore, #tpu.memory_space<semaphore_mem>>
          %dma_start3A_88 = arith.constant 0 : i32
          %dma_start3A_89 = tpu.memref_slice %arg5[%add3A_27, %dma_start3A_88] : memref<2560x128xi32, #tpu.memory_space<hbm>> -> memref<40x128xi32, #tpu.memory_space<hbm>>
          %dma_start3A_90 = arith.constant 0 : i32
          %dma_start3A_91 = tpu.memref_slice %arg5[%add3A_27, %dma_start3A_90] : memref<2560x128xi32, #tpu.memory_space<hbm>> -> memref<40x128xi32, #tpu.memory_space<hbm>>
          tpu.enqueue_dma source(%dma_start3A_91 : memref<40x128xi32, #tpu.memory_space<hbm>>) target(%arg10 : memref<40x128xi32, #tpu.memory_space<vmem>>) target_semaphore(%run_scoped3A : memref<!tpu.dma_semaphore, #tpu.memory_space<semaphore_mem>>)
          %dma_wait3A_92 = arith.constant 0 : i32
          %dma_wait3A_93 = tpu.memref_slice %arg5[%add3A_27, %dma_wait3A_92] : memref<2560x128xi32, #tpu.memory_space<hbm>> -> memref<40x128xi32, #tpu.memory_space<hbm>>
          %dma_wait3A_94 = arith.constant 0 : i32
          %dma_wait3A_95 = tpu.memref_slice %arg5[%add3A_27, %dma_wait3A_94] : memref<2560x128xi32, #tpu.memory_space<hbm>> -> memref<40x128xi32, #tpu.memory_space<hbm>>
          tpu.wait_dma2 semaphore(%run_scoped3A : memref<!tpu.dma_semaphore, #tpu.memory_space<semaphore_mem>>) src(%dma_wait3A_95 : memref<40x128xi32, #tpu.memory_space<hbm>>) dst(%arg10 : memref<40x128xi32, #tpu.memory_space<vmem>>)
          tpu.yield
        }) : () -> ()
        %dma_start3A = arith.constant 0 : i32
        %dma_start3A_28 = arith.constant 0 : i32
        %dma_start3A_29 = tpu.memref_slice %arg9[%dma_start3A, %dma_start3A_28] : memref<40x128xi32, #tpu.memory_space<vmem>> -> memref<1x128xi32, #tpu.memory_space<vmem>>
        %dma_start3A_30 = tpu.memref_squeeze %dma_start3A_29 : memref<1x128xi32, #tpu.memory_space<vmem>> -> memref<128xi32, #tpu.memory_space<vmem>>
        %dma_start3A_31 = arith.constant 0 : i32
        %dma_start3A_32 = arith.constant 0 : i32
        %dma_start3A_33 = tpu.memref_slice %arg2[%dma_start3A_31, %dma_start3A_32] : memref<10112x128xf32, #tpu.memory_space<hbm>> -> memref<10112x128xf32, #tpu.memory_space<hbm>>
        tpu.enqueue_indirect_dma source(%dma_start3A_33 : memref<10112x128xf32, #tpu.memory_space<hbm>>) target(%arg11 : memref<128x128xf32, #tpu.memory_space<vmem>>) offsets(%dma_start3A_30 : memref<128xi32, #tpu.memory_space<vmem>>) semaphore(%arg13 : memref<!tpu.dma_semaphore, #tpu.memory_space<semaphore_mem>>)
        %dma_start3A_34 = arith.constant 1 : i32
        %dma_start3A_35 = arith.constant 0 : i32
        %dma_start3A_36 = tpu.memref_slice %arg9[%dma_start3A_34, %dma_start3A_35] : memref<40x128xi32, #tpu.memory_space<vmem>> -> memref<1x128xi32, #tpu.memory_space<vmem>>
        %dma_start3A_37 = tpu.memref_squeeze %dma_start3A_36 : memref<1x128xi32, #tpu.memory_space<vmem>> -> memref<128xi32, #tpu.memory_space<vmem>>
        %dma_start3A_38 = arith.constant 0 : i32
        %dma_start3A_39 = arith.constant 0 : i32
        %dma_start3A_40 = tpu.memref_slice %arg2[%dma_start3A_38, %dma_start3A_39] : memref<10112x128xf32, #tpu.memory_space<hbm>> -> memref<10112x128xf32, #tpu.memory_space<hbm>>
        tpu.enqueue_indirect_dma source(%dma_start3A_40 : memref<10112x128xf32, #tpu.memory_space<hbm>>) target(%arg12 : memref<128x128xf32, #tpu.memory_space<vmem>>) offsets(%dma_start3A_37 : memref<128xi32, #tpu.memory_space<vmem>>) semaphore(%arg14 : memref<!tpu.dma_semaphore, #tpu.memory_space<semaphore_mem>>)
        %scan3A_41 = arith.constant 0 : i32
        %scan3A_42 = arith.constant 0 : i32
        %scan3A_43 = arith.constant 19 : i32
        %scan3A_44 = arith.addi %scan3A_42, %scan3A_43 : i32
        %scan3A_45 = arith.constant 1 : i32
        scf.for %scan3A_88 = %scan3A_42 to %scan3A_44 step %scan3A_45  : i32 {
          %mul3A_89 = arith.constant 2 : i32
          %mul3A_90 = arith.muli %mul3A_89, %scan3A_88 : i32
          %dma_wait3A_91 = arith.constant 0 : i32
          %dma_wait3A_92 = tpu.memref_slice %arg9[%mul3A_90, %dma_wait3A_91] : memref<40x128xi32, #tpu.memory_space<vmem>> -> memref<1x128xi32, #tpu.memory_space<vmem>>
          %dma_wait3A_93 = tpu.memref_squeeze %dma_wait3A_92 : memref<1x128xi32, #tpu.memory_space<vmem>> -> memref<128xi32, #tpu.memory_space<vmem>>
          %dma_wait3A_94 = arith.constant 0 : i32
          %dma_wait3A_95 = arith.constant 0 : i32
          %dma_wait3A_96 = tpu.memref_slice %arg2[%dma_wait3A_94, %dma_wait3A_95] : memref<10112x128xf32, #tpu.memory_space<hbm>> -> memref<10112x128xf32, #tpu.memory_space<hbm>>
          tpu.wait_indirect_dma semaphore(%arg13 : memref<!tpu.dma_semaphore, #tpu.memory_space<semaphore_mem>>) src(%dma_wait3A_96 : memref<10112x128xf32, #tpu.memory_space<hbm>>) dst(%arg11 : memref<128x128xf32, #tpu.memory_space<vmem>>)
          %dma_start3A_97 = arith.constant 0 : i32
          %dma_start3A_98 = tpu.memref_slice %arg10[%mul3A_90, %dma_start3A_97] : memref<40x128xi32, #tpu.memory_space<vmem>> -> memref<1x128xi32, #tpu.memory_space<vmem>>
          %dma_start3A_99 = tpu.memref_squeeze %dma_start3A_98 : memref<1x128xi32, #tpu.memory_space<vmem>> -> memref<128xi32, #tpu.memory_space<vmem>>
          %dma_start3A_100 = arith.constant 0 : i32
          %dma_start3A_101 = arith.constant 0 : i32
          %dma_start3A_102 = tpu.memref_slice %arg8[%dma_start3A_100, %dma_start3A_101] : memref<10112x128xf32, #tpu.memory_space<vmem_shared>> -> memref<10112x128xf32, #tpu.memory_space<vmem_shared>>
          tpu.enqueue_indirect_dma source(%arg11 : memref<128x128xf32, #tpu.memory_space<vmem>>) target(%dma_start3A_102 : memref<10112x128xf32, #tpu.memory_space<vmem_shared>>) offsets(%dma_start3A_99 : memref<128xi32, #tpu.memory_space<vmem>>) semaphore(%arg15 : memref<!tpu.dma_semaphore, #tpu.memory_space<semaphore_mem>>) {add = true}
          %dma_wait3A_103 = arith.constant 0 : i32
          %dma_wait3A_104 = tpu.memref_slice %arg10[%mul3A_90, %dma_wait3A_103] : memref<40x128xi32, #tpu.memory_space<vmem>> -> memref<1x128xi32, #tpu.memory_space<vmem>>
          %dma_wait3A_105 = tpu.memref_squeeze %dma_wait3A_104 : memref<1x128xi32, #tpu.memory_space<vmem>> -> memref<128xi32, #tpu.memory_space<vmem>>
          %dma_wait3A_106 = arith.constant 0 : i32
          %dma_wait3A_107 = arith.constant 0 : i32
          %dma_wait3A_108 = tpu.memref_slice %arg8[%dma_wait3A_106, %dma_wait3A_107] : memref<10112x128xf32, #tpu.memory_space<vmem_shared>> -> memref<10112x128xf32, #tpu.memory_space<vmem_shared>>
          tpu.wait_indirect_dma semaphore(%arg15 : memref<!tpu.dma_semaphore, #tpu.memory_space<semaphore_mem>>) src(%arg11 : memref<128x128xf32, #tpu.memory_space<vmem>>) dst(%dma_wait3A_108 : memref<10112x128xf32, #tpu.memory_space<vmem_shared>>)
          %add3A_109 = arith.constant 2 : i32
          %add3A_110 = arith.addi %mul3A_90, %add3A_109 : i32
          %dma_start3A_111 = arith.constant 0 : i32
          %dma_start3A_112 = tpu.memref_slice %arg9[%add3A_110, %dma_start3A_111] : memref<40x128xi32, #tpu.memory_space<vmem>> -> memref<1x128xi32, #tpu.memory_space<vmem>>
          %dma_start3A_113 = tpu.memref_squeeze %dma_start3A_112 : memref<1x128xi32, #tpu.memory_space<vmem>> -> memref<128xi32, #tpu.memory_space<vmem>>
          %dma_start3A_114 = arith.constant 0 : i32
          %dma_start3A_115 = arith.constant 0 : i32
          %dma_start3A_116 = tpu.memref_slice %arg2[%dma_start3A_114, %dma_start3A_115] : memref<10112x128xf32, #tpu.memory_space<hbm>> -> memref<10112x128xf32, #tpu.memory_space<hbm>>
          tpu.enqueue_indirect_dma source(%dma_start3A_116 : memref<10112x128xf32, #tpu.memory_space<hbm>>) target(%arg11 : memref<128x128xf32, #tpu.memory_space<vmem>>) offsets(%dma_start3A_113 : memref<128xi32, #tpu.memory_space<vmem>>) semaphore(%arg13 : memref<!tpu.dma_semaphore, #tpu.memory_space<semaphore_mem>>)
          %add3A_117 = arith.constant 1 : i32
          %add3A_118 = arith.addi %mul3A_90, %add3A_117 : i32
          %dma_wait3A_119 = arith.constant 0 : i32
          %dma_wait3A_120 = tpu.memref_slice %arg9[%add3A_118, %dma_wait3A_119] : memref<40x128xi32, #tpu.memory_space<vmem>> -> memref<1x128xi32, #tpu.memory_space<vmem>>
          %dma_wait3A_121 = tpu.memref_squeeze %dma_wait3A_120 : memref<1x128xi32, #tpu.memory_space<vmem>> -> memref<128xi32, #tpu.memory_space<vmem>>
          %dma_wait3A_122 = arith.constant 0 : i32
          %dma_wait3A_123 = arith.constant 0 : i32
          %dma_wait3A_124 = tpu.memref_slice %arg2[%dma_wait3A_122, %dma_wait3A_123] : memref<10112x128xf32, #tpu.memory_space<hbm>> -> memref<10112x128xf32, #tpu.memory_space<hbm>>
          tpu.wait_indirect_dma semaphore(%arg14 : memref<!tpu.dma_semaphore, #tpu.memory_space<semaphore_mem>>) src(%dma_wait3A_124 : memref<10112x128xf32, #tpu.memory_space<hbm>>) dst(%arg12 : memref<128x128xf32, #tpu.memory_space<vmem>>)
          %add3A_125 = arith.constant 1 : i32
          %add3A_126 = arith.addi %mul3A_90, %add3A_125 : i32
          %dma_start3A_127 = arith.constant 0 : i32
          %dma_start3A_128 = tpu.memref_slice %arg10[%add3A_126, %dma_start3A_127] : memref<40x128xi32, #tpu.memory_space<vmem>> -> memref<1x128xi32, #tpu.memory_space<vmem>>
          %dma_start3A_129 = tpu.memref_squeeze %dma_start3A_128 : memref<1x128xi32, #tpu.memory_space<vmem>> -> memref<128xi32, #tpu.memory_space<vmem>>
          %dma_start3A_130 = arith.constant 0 : i32
          %dma_start3A_131 = arith.constant 0 : i32
          %dma_start3A_132 = tpu.memref_slice %arg8[%dma_start3A_130, %dma_start3A_131] : memref<10112x128xf32, #tpu.memory_space<vmem_shared>> -> memref<10112x128xf32, #tpu.memory_space<vmem_shared>>
          tpu.enqueue_indirect_dma source(%arg12 : memref<128x128xf32, #tpu.memory_space<vmem>>) target(%dma_start3A_132 : memref<10112x128xf32, #tpu.memory_space<vmem_shared>>) offsets(%dma_start3A_129 : memref<128xi32, #tpu.memory_space<vmem>>) semaphore(%arg16 : memref<!tpu.dma_semaphore, #tpu.memory_space<semaphore_mem>>) {add = true}
          %add3A_133 = arith.constant 1 : i32
          %add3A_134 = arith.addi %mul3A_90, %add3A_133 : i32
          %dma_wait3A_135 = arith.constant 0 : i32
          %dma_wait3A_136 = tpu.memref_slice %arg10[%add3A_134, %dma_wait3A_135] : memref<40x128xi32, #tpu.memory_space<vmem>> -> memref<1x128xi32, #tpu.memory_space<vmem>>
          %dma_wait3A_137 = tpu.memref_squeeze %dma_wait3A_136 : memref<1x128xi32, #tpu.memory_space<vmem>> -> memref<128xi32, #tpu.memory_space<vmem>>
          %dma_wait3A_138 = arith.constant 0 : i32
          %dma_wait3A_139 = arith.constant 0 : i32
          %dma_wait3A_140 = tpu.memref_slice %arg8[%dma_wait3A_138, %dma_wait3A_139] : memref<10112x128xf32, #tpu.memory_space<vmem_shared>> -> memref<10112x128xf32, #tpu.memory_space<vmem_shared>>
          tpu.wait_indirect_dma semaphore(%arg16 : memref<!tpu.dma_semaphore, #tpu.memory_space<semaphore_mem>>) src(%arg12 : memref<128x128xf32, #tpu.memory_space<vmem>>) dst(%dma_wait3A_140 : memref<10112x128xf32, #tpu.memory_space<vmem_shared>>)
          %add3A_141 = arith.constant 3 : i32
          %add3A_142 = arith.addi %mul3A_90, %add3A_141 : i32
          %dma_start3A_143 = arith.constant 0 : i32
          %dma_start3A_144 = tpu.memref_slice %arg9[%add3A_142, %dma_start3A_143] : memref<40x128xi32, #tpu.memory_space<vmem>> -> memref<1x128xi32, #tpu.memory_space<vmem>>
          %dma_start3A_145 = tpu.memref_squeeze %dma_start3A_144 : memref<1x128xi32, #tpu.memory_space<vmem>> -> memref<128xi32, #tpu.memory_space<vmem>>
          %dma_start3A_146 = arith.constant 0 : i32
          %dma_start3A_147 = arith.constant 0 : i32
          %dma_start3A_148 = tpu.memref_slice %arg2[%dma_start3A_146, %dma_start3A_147] : memref<10112x128xf32, #tpu.memory_space<hbm>> -> memref<10112x128xf32, #tpu.memory_space<hbm>>
          tpu.enqueue_indirect_dma source(%dma_start3A_148 : memref<10112x128xf32, #tpu.memory_space<hbm>>) target(%arg12 : memref<128x128xf32, #tpu.memory_space<vmem>>) offsets(%dma_start3A_145 : memref<128xi32, #tpu.memory_space<vmem>>) semaphore(%arg14 : memref<!tpu.dma_semaphore, #tpu.memory_space<semaphore_mem>>)
        }
        %scan3A_46 = arith.constant 19 : i32
        %dma_wait3A = arith.constant 38 : i32
        %dma_wait3A_47 = arith.constant 0 : i32
        %dma_wait3A_48 = tpu.memref_slice %arg9[%dma_wait3A, %dma_wait3A_47] : memref<40x128xi32, #tpu.memory_space<vmem>> -> memref<1x128xi32, #tpu.memory_space<vmem>>
        %dma_wait3A_49 = tpu.memref_squeeze %dma_wait3A_48 : memref<1x128xi32, #tpu.memory_space<vmem>> -> memref<128xi32, #tpu.memory_space<vmem>>
        %dma_wait3A_50 = arith.constant 0 : i32
        %dma_wait3A_51 = arith.constant 0 : i32
        %dma_wait3A_52 = tpu.memref_slice %arg2[%dma_wait3A_50, %dma_wait3A_51] : memref<10112x128xf32, #tpu.memory_space<hbm>> -> memref<10112x128xf32, #tpu.memory_space<hbm>>
        tpu.wait_indirect_dma semaphore(%arg13 : memref<!tpu.dma_semaphore, #tpu.memory_space<semaphore_mem>>) src(%dma_wait3A_52 : memref<10112x128xf32, #tpu.memory_space<hbm>>) dst(%arg11 : memref<128x128xf32, #tpu.memory_space<vmem>>)
        %dma_start3A_53 = arith.constant 38 : i32
        %dma_start3A_54 = arith.constant 0 : i32
        %dma_start3A_55 = tpu.memref_slice %arg10[%dma_start3A_53, %dma_start3A_54] : memref<40x128xi32, #tpu.memory_space<vmem>> -> memref<1x128xi32, #tpu.memory_space<vmem>>
        %dma_start3A_56 = tpu.memref_squeeze %dma_start3A_55 : memref<1x128xi32, #tpu.memory_space<vmem>> -> memref<128xi32, #tpu.memory_space<vmem>>
        %dma_start3A_57 = arith.constant 0 : i32
        %dma_start3A_58 = arith.constant 0 : i32
        %dma_start3A_59 = tpu.memref_slice %arg8[%dma_start3A_57, %dma_start3A_58] : memref<10112x128xf32, #tpu.memory_space<vmem_shared>> -> memref<10112x128xf32, #tpu.memory_space<vmem_shared>>
        tpu.enqueue_indirect_dma source(%arg11 : memref<128x128xf32, #tpu.memory_space<vmem>>) target(%dma_start3A_59 : memref<10112x128xf32, #tpu.memory_space<vmem_shared>>) offsets(%dma_start3A_56 : memref<128xi32, #tpu.memory_space<vmem>>) semaphore(%arg15 : memref<!tpu.dma_semaphore, #tpu.memory_space<semaphore_mem>>) {add = true}
        %dma_wait3A_60 = arith.constant 39 : i32
        %dma_wait3A_61 = arith.constant 0 : i32
        %dma_wait3A_62 = tpu.memref_slice %arg9[%dma_wait3A_60, %dma_wait3A_61] : memref<40x128xi32, #tpu.memory_space<vmem>> -> memref<1x128xi32, #tpu.memory_space<vmem>>
        %dma_wait3A_63 = tpu.memref_squeeze %dma_wait3A_62 : memref<1x128xi32, #tpu.memory_space<vmem>> -> memref<128xi32, #tpu.memory_space<vmem>>
        %dma_wait3A_64 = arith.constant 0 : i32
        %dma_wait3A_65 = arith.constant 0 : i32
        %dma_wait3A_66 = tpu.memref_slice %arg2[%dma_wait3A_64, %dma_wait3A_65] : memref<10112x128xf32, #tpu.memory_space<hbm>> -> memref<10112x128xf32, #tpu.memory_space<hbm>>
        tpu.wait_indirect_dma semaphore(%arg14 : memref<!tpu.dma_semaphore, #tpu.memory_space<semaphore_mem>>) src(%dma_wait3A_66 : memref<10112x128xf32, #tpu.memory_space<hbm>>) dst(%arg12 : memref<128x128xf32, #tpu.memory_space<vmem>>)
        %dma_start3A_67 = arith.constant 39 : i32
        %dma_start3A_68 = arith.constant 0 : i32
        %dma_start3A_69 = tpu.memref_slice %arg10[%dma_start3A_67, %dma_start3A_68] : memref<40x128xi32, #tpu.memory_space<vmem>> -> memref<1x128xi32, #tpu.memory_space<vmem>>
        %dma_start3A_70 = tpu.memref_squeeze %dma_start3A_69 : memref<1x128xi32, #tpu.memory_space<vmem>> -> memref<128xi32, #tpu.memory_space<vmem>>
        %dma_start3A_71 = arith.constant 0 : i32
        %dma_start3A_72 = arith.constant 0 : i32
        %dma_start3A_73 = tpu.memref_slice %arg8[%dma_start3A_71, %dma_start3A_72] : memref<10112x128xf32, #tpu.memory_space<vmem_shared>> -> memref<10112x128xf32, #tpu.memory_space<vmem_shared>>
        tpu.enqueue_indirect_dma source(%arg12 : memref<128x128xf32, #tpu.memory_space<vmem>>) target(%dma_start3A_73 : memref<10112x128xf32, #tpu.memory_space<vmem_shared>>) offsets(%dma_start3A_70 : memref<128xi32, #tpu.memory_space<vmem>>) semaphore(%arg16 : memref<!tpu.dma_semaphore, #tpu.memory_space<semaphore_mem>>) {add = true}
        %dma_wait3A_74 = arith.constant 38 : i32
        %dma_wait3A_75 = arith.constant 0 : i32
        %dma_wait3A_76 = tpu.memref_slice %arg10[%dma_wait3A_74, %dma_wait3A_75] : memref<40x128xi32, #tpu.memory_space<vmem>> -> memref<1x128xi32, #tpu.memory_space<vmem>>
        %dma_wait3A_77 = tpu.memref_squeeze %dma_wait3A_76 : memref<1x128xi32, #tpu.memory_space<vmem>> -> memref<128xi32, #tpu.memory_space<vmem>>
        %dma_wait3A_78 = arith.constant 0 : i32
        %dma_wait3A_79 = arith.constant 0 : i32
        %dma_wait3A_80 = tpu.memref_slice %arg8[%dma_wait3A_78, %dma_wait3A_79] : memref<10112x128xf32, #tpu.memory_space<vmem_shared>> -> memref<10112x128xf32, #tpu.memory_space<vmem_shared>>
        tpu.wait_indirect_dma semaphore(%arg15 : memref<!tpu.dma_semaphore, #tpu.memory_space<semaphore_mem>>) src(%arg11 : memref<128x128xf32, #tpu.memory_space<vmem>>) dst(%dma_wait3A_80 : memref<10112x128xf32, #tpu.memory_space<vmem_shared>>)
        %dma_wait3A_81 = arith.constant 39 : i32
        %dma_wait3A_82 = arith.constant 0 : i32
        %dma_wait3A_83 = tpu.memref_slice %arg10[%dma_wait3A_81, %dma_wait3A_82] : memref<40x128xi32, #tpu.memory_space<vmem>> -> memref<1x128xi32, #tpu.memory_space<vmem>>
        %dma_wait3A_84 = tpu.memref_squeeze %dma_wait3A_83 : memref<1x128xi32, #tpu.memory_space<vmem>> -> memref<128xi32, #tpu.memory_space<vmem>>
        %dma_wait3A_85 = arith.constant 0 : i32
        %dma_wait3A_86 = arith.constant 0 : i32
        %dma_wait3A_87 = tpu.memref_slice %arg8[%dma_wait3A_85, %dma_wait3A_86] : memref<10112x128xf32, #tpu.memory_space<vmem_shared>> -> memref<10112x128xf32, #tpu.memory_space<vmem_shared>>
        tpu.wait_indirect_dma semaphore(%arg16 : memref<!tpu.dma_semaphore, #tpu.memory_space<semaphore_mem>>) src(%arg12 : memref<128x128xf32, #tpu.memory_space<vmem>>) dst(%dma_wait3A_87 : memref<10112x128xf32, #tpu.memory_space<vmem_shared>>)
      }
      %scan3A_16 = arith.constant 4 : i32
      %barrier3A_17 = arith.constant 0 : index
      tpu.barrier barrier_id(%barrier3A_17)
      %mul3A_18 = arith.constant 632 : i32
      %mul3A_19 = arith.muli %arg1, %mul3A_18 : i32
      %mul3A_20 = arith.constant 632 : i32
      %mul3A_21 = arith.muli %arg1, %mul3A_20 : i32
      "tpu.region"() ({
        %run_scoped3A = tpu.sem_alloc : memref<!tpu.dma_semaphore, #tpu.memory_space<semaphore_mem>>
        %dma_start3A = arith.constant 0 : i32
        %dma_start3A_22 = tpu.memref_slice %arg6[%mul3A_21, %dma_start3A] : memref<10112x128xf32, #tpu.memory_space<hbm>> -> memref<632x128xf32, #tpu.memory_space<hbm>>
        %dma_start3A_23 = arith.constant 0 : i32
        %dma_start3A_24 = tpu.memref_slice %arg8[%mul3A_19, %dma_start3A_23] : memref<10112x128xf32, #tpu.memory_space<vmem_shared>> -> memref<632x128xf32, #tpu.memory_space<vmem_shared>>
        tpu.enqueue_dma source(%dma_start3A_24 : memref<632x128xf32, #tpu.memory_space<vmem_shared>>) target(%dma_start3A_22 : memref<632x128xf32, #tpu.memory_space<hbm>>) target_semaphore(%run_scoped3A : memref<!tpu.dma_semaphore, #tpu.memory_space<semaphore_mem>>)
        %dma_wait3A = arith.constant 0 : i32
        %dma_wait3A_25 = tpu.memref_slice %arg6[%mul3A_21, %dma_wait3A] : memref<10112x128xf32, #tpu.memory_space<hbm>> -> memref<632x128xf32, #tpu.memory_space<hbm>>
        %dma_wait3A_26 = arith.constant 0 : i32
        %dma_wait3A_27 = tpu.memref_slice %arg8[%mul3A_19, %dma_wait3A_26] : memref<10112x128xf32, #tpu.memory_space<vmem_shared>> -> memref<632x128xf32, #tpu.memory_space<vmem_shared>>
        tpu.wait_dma2 semaphore(%run_scoped3A : memref<!tpu.dma_semaphore, #tpu.memory_space<semaphore_mem>>) src(%dma_wait3A_27 : memref<632x128xf32, #tpu.memory_space<vmem_shared>>) dst(%dma_wait3A_25 : memref<632x128xf32, #tpu.memory_space<hbm>>)
        tpu.yield
      }) : () -> ()
    } else {
    }
    %eq3A_2 = arith.constant 1 : i32
    %eq3A_3 = arith.cmpi eq, %arg0, %eq3A_2 : i32
    %convert_element_type3A_4 = arith.extui %eq3A_3 : i1 to i32
    %cond3A_5 = arith.constant 0 : i32
    %cond3A_6 = arith.cmpi ne, %convert_element_type3A_4, %cond3A_5 : i32
    scf.if %cond3A_6 {
      %mul3A = arith.constant 632 : i32
      %mul3A_7 = arith.muli %arg1, %mul3A : i32
      %mul3A_8 = arith.constant 632 : i32
      %mul3A_9 = arith.muli %arg1, %mul3A_8 : i32
      "tpu.region"() ({
        %run_scoped3A = tpu.sem_alloc : memref<!tpu.dma_semaphore, #tpu.memory_space<semaphore_mem>>
        %dma_start3A = arith.constant 0 : i32
        %dma_start3A_22 = tpu.memref_slice %arg8[%mul3A_9, %dma_start3A] : memref<10112x128xf32, #tpu.memory_space<vmem_shared>> -> memref<632x128xf32, #tpu.memory_space<vmem_shared>>
        %dma_start3A_23 = arith.constant 0 : i32
        %dma_start3A_24 = tpu.memref_slice %arg3[%mul3A_7, %dma_start3A_23] : memref<10112x128xf32, #tpu.memory_space<hbm>> -> memref<632x128xf32, #tpu.memory_space<hbm>>
        tpu.enqueue_dma source(%dma_start3A_24 : memref<632x128xf32, #tpu.memory_space<hbm>>) target(%dma_start3A_22 : memref<632x128xf32, #tpu.memory_space<vmem_shared>>) target_semaphore(%run_scoped3A : memref<!tpu.dma_semaphore, #tpu.memory_space<semaphore_mem>>)
        %dma_wait3A = arith.constant 0 : i32
        %dma_wait3A_25 = tpu.memref_slice %arg8[%mul3A_9, %dma_wait3A] : memref<10112x128xf32, #tpu.memory_space<vmem_shared>> -> memref<632x128xf32, #tpu.memory_space<vmem_shared>>
        %dma_wait3A_26 = arith.constant 0 : i32
        %dma_wait3A_27 = tpu.memref_slice %arg3[%mul3A_7, %dma_wait3A_26] : memref<10112x128xf32, #tpu.memory_space<hbm>> -> memref<632x128xf32, #tpu.memory_space<hbm>>
        tpu.wait_dma2 semaphore(%run_scoped3A : memref<!tpu.dma_semaphore, #tpu.memory_space<semaphore_mem>>) src(%dma_wait3A_27 : memref<632x128xf32, #tpu.memory_space<hbm>>) dst(%dma_wait3A_25 : memref<632x128xf32, #tpu.memory_space<vmem_shared>>)
        tpu.yield
      }) : () -> ()
      %barrier3A = arith.constant 0 : index
      tpu.barrier barrier_id(%barrier3A)
      %mul3A_10 = arith.constant 160 : i32
      %mul3A_11 = arith.muli %arg1, %mul3A_10 : i32
      %scan3A = arith.constant 0 : i32
      %scan3A_12 = arith.constant 0 : i32
      %scan3A_13 = arith.constant 4 : i32
      %scan3A_14 = arith.addi %scan3A_12, %scan3A_13 : i32
      %scan3A_15 = arith.constant 1 : i32
      scf.for %scan3A_22 = %scan3A_12 to %scan3A_14 step %scan3A_15  : i32 {
        %mul3A_23 = arith.constant 40 : i32
        %mul3A_24 = arith.muli %scan3A_22, %mul3A_23 : i32
        %add3A = arith.addi %mul3A_11, %mul3A_24 : i32
        "tpu.region"() ({
          %run_scoped3A = tpu.sem_alloc : memref<!tpu.dma_semaphore, #tpu.memory_space<semaphore_mem>>
          %dma_start3A_88 = arith.constant 0 : i32
          %dma_start3A_89 = tpu.memref_slice %arg4[%add3A, %dma_start3A_88] : memref<2560x128xi32, #tpu.memory_space<hbm>> -> memref<40x128xi32, #tpu.memory_space<hbm>>
          %dma_start3A_90 = arith.constant 0 : i32
          %dma_start3A_91 = tpu.memref_slice %arg4[%add3A, %dma_start3A_90] : memref<2560x128xi32, #tpu.memory_space<hbm>> -> memref<40x128xi32, #tpu.memory_space<hbm>>
          tpu.enqueue_dma source(%dma_start3A_91 : memref<40x128xi32, #tpu.memory_space<hbm>>) target(%arg9 : memref<40x128xi32, #tpu.memory_space<vmem>>) target_semaphore(%run_scoped3A : memref<!tpu.dma_semaphore, #tpu.memory_space<semaphore_mem>>)
          %dma_wait3A_92 = arith.constant 0 : i32
          %dma_wait3A_93 = tpu.memref_slice %arg4[%add3A, %dma_wait3A_92] : memref<2560x128xi32, #tpu.memory_space<hbm>> -> memref<40x128xi32, #tpu.memory_space<hbm>>
          %dma_wait3A_94 = arith.constant 0 : i32
          %dma_wait3A_95 = tpu.memref_slice %arg4[%add3A, %dma_wait3A_94] : memref<2560x128xi32, #tpu.memory_space<hbm>> -> memref<40x128xi32, #tpu.memory_space<hbm>>
          tpu.wait_dma2 semaphore(%run_scoped3A : memref<!tpu.dma_semaphore, #tpu.memory_space<semaphore_mem>>) src(%dma_wait3A_95 : memref<40x128xi32, #tpu.memory_space<hbm>>) dst(%arg9 : memref<40x128xi32, #tpu.memory_space<vmem>>)
          tpu.yield
        }) : () -> ()
        %mul3A_25 = arith.constant 40 : i32
        %mul3A_26 = arith.muli %scan3A_22, %mul3A_25 : i32
        %add3A_27 = arith.addi %mul3A_11, %mul3A_26 : i32
        "tpu.region"() ({
          %run_scoped3A = tpu.sem_alloc : memref<!tpu.dma_semaphore, #tpu.memory_space<semaphore_mem>>
          %dma_start3A_88 = arith.constant 0 : i32
          %dma_start3A_89 = tpu.memref_slice %arg5[%add3A_27, %dma_start3A_88] : memref<2560x128xi32, #tpu.memory_space<hbm>> -> memref<40x128xi32, #tpu.memory_space<hbm>>
          %dma_start3A_90 = arith.constant 0 : i32
          %dma_start3A_91 = tpu.memref_slice %arg5[%add3A_27, %dma_start3A_90] : memref<2560x128xi32, #tpu.memory_space<hbm>> -> memref<40x128xi32, #tpu.memory_space<hbm>>
          tpu.enqueue_dma source(%dma_start3A_91 : memref<40x128xi32, #tpu.memory_space<hbm>>) target(%arg10 : memref<40x128xi32, #tpu.memory_space<vmem>>) target_semaphore(%run_scoped3A : memref<!tpu.dma_semaphore, #tpu.memory_space<semaphore_mem>>)
          %dma_wait3A_92 = arith.constant 0 : i32
          %dma_wait3A_93 = tpu.memref_slice %arg5[%add3A_27, %dma_wait3A_92] : memref<2560x128xi32, #tpu.memory_space<hbm>> -> memref<40x128xi32, #tpu.memory_space<hbm>>
          %dma_wait3A_94 = arith.constant 0 : i32
          %dma_wait3A_95 = tpu.memref_slice %arg5[%add3A_27, %dma_wait3A_94] : memref<2560x128xi32, #tpu.memory_space<hbm>> -> memref<40x128xi32, #tpu.memory_space<hbm>>
          tpu.wait_dma2 semaphore(%run_scoped3A : memref<!tpu.dma_semaphore, #tpu.memory_space<semaphore_mem>>) src(%dma_wait3A_95 : memref<40x128xi32, #tpu.memory_space<hbm>>) dst(%arg10 : memref<40x128xi32, #tpu.memory_space<vmem>>)
          tpu.yield
        }) : () -> ()
        %dma_start3A = arith.constant 0 : i32
        %dma_start3A_28 = arith.constant 0 : i32
        %dma_start3A_29 = tpu.memref_slice %arg9[%dma_start3A, %dma_start3A_28] : memref<40x128xi32, #tpu.memory_space<vmem>> -> memref<1x128xi32, #tpu.memory_space<vmem>>
        %dma_start3A_30 = tpu.memref_squeeze %dma_start3A_29 : memref<1x128xi32, #tpu.memory_space<vmem>> -> memref<128xi32, #tpu.memory_space<vmem>>
        %dma_start3A_31 = arith.constant 0 : i32
        %dma_start3A_32 = arith.constant 0 : i32
        %dma_start3A_33 = tpu.memref_slice %arg3[%dma_start3A_31, %dma_start3A_32] : memref<10112x128xf32, #tpu.memory_space<hbm>> -> memref<10112x128xf32, #tpu.memory_space<hbm>>
        tpu.enqueue_indirect_dma source(%dma_start3A_33 : memref<10112x128xf32, #tpu.memory_space<hbm>>) target(%arg11 : memref<128x128xf32, #tpu.memory_space<vmem>>) offsets(%dma_start3A_30 : memref<128xi32, #tpu.memory_space<vmem>>) semaphore(%arg13 : memref<!tpu.dma_semaphore, #tpu.memory_space<semaphore_mem>>)
        %dma_start3A_34 = arith.constant 1 : i32
        %dma_start3A_35 = arith.constant 0 : i32
        %dma_start3A_36 = tpu.memref_slice %arg9[%dma_start3A_34, %dma_start3A_35] : memref<40x128xi32, #tpu.memory_space<vmem>> -> memref<1x128xi32, #tpu.memory_space<vmem>>
        %dma_start3A_37 = tpu.memref_squeeze %dma_start3A_36 : memref<1x128xi32, #tpu.memory_space<vmem>> -> memref<128xi32, #tpu.memory_space<vmem>>
        %dma_start3A_38 = arith.constant 0 : i32
        %dma_start3A_39 = arith.constant 0 : i32
        %dma_start3A_40 = tpu.memref_slice %arg3[%dma_start3A_38, %dma_start3A_39] : memref<10112x128xf32, #tpu.memory_space<hbm>> -> memref<10112x128xf32, #tpu.memory_space<hbm>>
        tpu.enqueue_indirect_dma source(%dma_start3A_40 : memref<10112x128xf32, #tpu.memory_space<hbm>>) target(%arg12 : memref<128x128xf32, #tpu.memory_space<vmem>>) offsets(%dma_start3A_37 : memref<128xi32, #tpu.memory_space<vmem>>) semaphore(%arg14 : memref<!tpu.dma_semaphore, #tpu.memory_space<semaphore_mem>>)
        %scan3A_41 = arith.constant 0 : i32
        %scan3A_42 = arith.constant 0 : i32
        %scan3A_43 = arith.constant 19 : i32
        %scan3A_44 = arith.addi %scan3A_42, %scan3A_43 : i32
        %scan3A_45 = arith.constant 1 : i32
        scf.for %scan3A_88 = %scan3A_42 to %scan3A_44 step %scan3A_45  : i32 {
          %mul3A_89 = arith.constant 2 : i32
          %mul3A_90 = arith.muli %mul3A_89, %scan3A_88 : i32
          %dma_wait3A_91 = arith.constant 0 : i32
          %dma_wait3A_92 = tpu.memref_slice %arg9[%mul3A_90, %dma_wait3A_91] : memref<40x128xi32, #tpu.memory_space<vmem>> -> memref<1x128xi32, #tpu.memory_space<vmem>>
          %dma_wait3A_93 = tpu.memref_squeeze %dma_wait3A_92 : memref<1x128xi32, #tpu.memory_space<vmem>> -> memref<128xi32, #tpu.memory_space<vmem>>
          %dma_wait3A_94 = arith.constant 0 : i32
          %dma_wait3A_95 = arith.constant 0 : i32
          %dma_wait3A_96 = tpu.memref_slice %arg3[%dma_wait3A_94, %dma_wait3A_95] : memref<10112x128xf32, #tpu.memory_space<hbm>> -> memref<10112x128xf32, #tpu.memory_space<hbm>>
          tpu.wait_indirect_dma semaphore(%arg13 : memref<!tpu.dma_semaphore, #tpu.memory_space<semaphore_mem>>) src(%dma_wait3A_96 : memref<10112x128xf32, #tpu.memory_space<hbm>>) dst(%arg11 : memref<128x128xf32, #tpu.memory_space<vmem>>)
          %dma_start3A_97 = arith.constant 0 : i32
          %dma_start3A_98 = tpu.memref_slice %arg10[%mul3A_90, %dma_start3A_97] : memref<40x128xi32, #tpu.memory_space<vmem>> -> memref<1x128xi32, #tpu.memory_space<vmem>>
          %dma_start3A_99 = tpu.memref_squeeze %dma_start3A_98 : memref<1x128xi32, #tpu.memory_space<vmem>> -> memref<128xi32, #tpu.memory_space<vmem>>
          %dma_start3A_100 = arith.constant 0 : i32
          %dma_start3A_101 = arith.constant 0 : i32
          %dma_start3A_102 = tpu.memref_slice %arg8[%dma_start3A_100, %dma_start3A_101] : memref<10112x128xf32, #tpu.memory_space<vmem_shared>> -> memref<10112x128xf32, #tpu.memory_space<vmem_shared>>
          tpu.enqueue_indirect_dma source(%arg11 : memref<128x128xf32, #tpu.memory_space<vmem>>) target(%dma_start3A_102 : memref<10112x128xf32, #tpu.memory_space<vmem_shared>>) offsets(%dma_start3A_99 : memref<128xi32, #tpu.memory_space<vmem>>) semaphore(%arg15 : memref<!tpu.dma_semaphore, #tpu.memory_space<semaphore_mem>>) {add = true}
          %dma_wait3A_103 = arith.constant 0 : i32
          %dma_wait3A_104 = tpu.memref_slice %arg10[%mul3A_90, %dma_wait3A_103] : memref<40x128xi32, #tpu.memory_space<vmem>> -> memref<1x128xi32, #tpu.memory_space<vmem>>
          %dma_wait3A_105 = tpu.memref_squeeze %dma_wait3A_104 : memref<1x128xi32, #tpu.memory_space<vmem>> -> memref<128xi32, #tpu.memory_space<vmem>>
          %dma_wait3A_106 = arith.constant 0 : i32
          %dma_wait3A_107 = arith.constant 0 : i32
          %dma_wait3A_108 = tpu.memref_slice %arg8[%dma_wait3A_106, %dma_wait3A_107] : memref<10112x128xf32, #tpu.memory_space<vmem_shared>> -> memref<10112x128xf32, #tpu.memory_space<vmem_shared>>
          tpu.wait_indirect_dma semaphore(%arg15 : memref<!tpu.dma_semaphore, #tpu.memory_space<semaphore_mem>>) src(%arg11 : memref<128x128xf32, #tpu.memory_space<vmem>>) dst(%dma_wait3A_108 : memref<10112x128xf32, #tpu.memory_space<vmem_shared>>)
          %add3A_109 = arith.constant 2 : i32
          %add3A_110 = arith.addi %mul3A_90, %add3A_109 : i32
          %dma_start3A_111 = arith.constant 0 : i32
          %dma_start3A_112 = tpu.memref_slice %arg9[%add3A_110, %dma_start3A_111] : memref<40x128xi32, #tpu.memory_space<vmem>> -> memref<1x128xi32, #tpu.memory_space<vmem>>
          %dma_start3A_113 = tpu.memref_squeeze %dma_start3A_112 : memref<1x128xi32, #tpu.memory_space<vmem>> -> memref<128xi32, #tpu.memory_space<vmem>>
          %dma_start3A_114 = arith.constant 0 : i32
          %dma_start3A_115 = arith.constant 0 : i32
          %dma_start3A_116 = tpu.memref_slice %arg3[%dma_start3A_114, %dma_start3A_115] : memref<10112x128xf32, #tpu.memory_space<hbm>> -> memref<10112x128xf32, #tpu.memory_space<hbm>>
          tpu.enqueue_indirect_dma source(%dma_start3A_116 : memref<10112x128xf32, #tpu.memory_space<hbm>>) target(%arg11 : memref<128x128xf32, #tpu.memory_space<vmem>>) offsets(%dma_start3A_113 : memref<128xi32, #tpu.memory_space<vmem>>) semaphore(%arg13 : memref<!tpu.dma_semaphore, #tpu.memory_space<semaphore_mem>>)
          %add3A_117 = arith.constant 1 : i32
          %add3A_118 = arith.addi %mul3A_90, %add3A_117 : i32
          %dma_wait3A_119 = arith.constant 0 : i32
          %dma_wait3A_120 = tpu.memref_slice %arg9[%add3A_118, %dma_wait3A_119] : memref<40x128xi32, #tpu.memory_space<vmem>> -> memref<1x128xi32, #tpu.memory_space<vmem>>
          %dma_wait3A_121 = tpu.memref_squeeze %dma_wait3A_120 : memref<1x128xi32, #tpu.memory_space<vmem>> -> memref<128xi32, #tpu.memory_space<vmem>>
          %dma_wait3A_122 = arith.constant 0 : i32
          %dma_wait3A_123 = arith.constant 0 : i32
          %dma_wait3A_124 = tpu.memref_slice %arg3[%dma_wait3A_122, %dma_wait3A_123] : memref<10112x128xf32, #tpu.memory_space<hbm>> -> memref<10112x128xf32, #tpu.memory_space<hbm>>
          tpu.wait_indirect_dma semaphore(%arg14 : memref<!tpu.dma_semaphore, #tpu.memory_space<semaphore_mem>>) src(%dma_wait3A_124 : memref<10112x128xf32, #tpu.memory_space<hbm>>) dst(%arg12 : memref<128x128xf32, #tpu.memory_space<vmem>>)
          %add3A_125 = arith.constant 1 : i32
          %add3A_126 = arith.addi %mul3A_90, %add3A_125 : i32
          %dma_start3A_127 = arith.constant 0 : i32
          %dma_start3A_128 = tpu.memref_slice %arg10[%add3A_126, %dma_start3A_127] : memref<40x128xi32, #tpu.memory_space<vmem>> -> memref<1x128xi32, #tpu.memory_space<vmem>>
          %dma_start3A_129 = tpu.memref_squeeze %dma_start3A_128 : memref<1x128xi32, #tpu.memory_space<vmem>> -> memref<128xi32, #tpu.memory_space<vmem>>
          %dma_start3A_130 = arith.constant 0 : i32
          %dma_start3A_131 = arith.constant 0 : i32
          %dma_start3A_132 = tpu.memref_slice %arg8[%dma_start3A_130, %dma_start3A_131] : memref<10112x128xf32, #tpu.memory_space<vmem_shared>> -> memref<10112x128xf32, #tpu.memory_space<vmem_shared>>
          tpu.enqueue_indirect_dma source(%arg12 : memref<128x128xf32, #tpu.memory_space<vmem>>) target(%dma_start3A_132 : memref<10112x128xf32, #tpu.memory_space<vmem_shared>>) offsets(%dma_start3A_129 : memref<128xi32, #tpu.memory_space<vmem>>) semaphore(%arg16 : memref<!tpu.dma_semaphore, #tpu.memory_space<semaphore_mem>>) {add = true}
          %add3A_133 = arith.constant 1 : i32
          %add3A_134 = arith.addi %mul3A_90, %add3A_133 : i32
          %dma_wait3A_135 = arith.constant 0 : i32
          %dma_wait3A_136 = tpu.memref_slice %arg10[%add3A_134, %dma_wait3A_135] : memref<40x128xi32, #tpu.memory_space<vmem>> -> memref<1x128xi32, #tpu.memory_space<vmem>>
          %dma_wait3A_137 = tpu.memref_squeeze %dma_wait3A_136 : memref<1x128xi32, #tpu.memory_space<vmem>> -> memref<128xi32, #tpu.memory_space<vmem>>
          %dma_wait3A_138 = arith.constant 0 : i32
          %dma_wait3A_139 = arith.constant 0 : i32
          %dma_wait3A_140 = tpu.memref_slice %arg8[%dma_wait3A_138, %dma_wait3A_139] : memref<10112x128xf32, #tpu.memory_space<vmem_shared>> -> memref<10112x128xf32, #tpu.memory_space<vmem_shared>>
          tpu.wait_indirect_dma semaphore(%arg16 : memref<!tpu.dma_semaphore, #tpu.memory_space<semaphore_mem>>) src(%arg12 : memref<128x128xf32, #tpu.memory_space<vmem>>) dst(%dma_wait3A_140 : memref<10112x128xf32, #tpu.memory_space<vmem_shared>>)
          %add3A_141 = arith.constant 3 : i32
          %add3A_142 = arith.addi %mul3A_90, %add3A_141 : i32
          %dma_start3A_143 = arith.constant 0 : i32
          %dma_start3A_144 = tpu.memref_slice %arg9[%add3A_142, %dma_start3A_143] : memref<40x128xi32, #tpu.memory_space<vmem>> -> memref<1x128xi32, #tpu.memory_space<vmem>>
          %dma_start3A_145 = tpu.memref_squeeze %dma_start3A_144 : memref<1x128xi32, #tpu.memory_space<vmem>> -> memref<128xi32, #tpu.memory_space<vmem>>
          %dma_start3A_146 = arith.constant 0 : i32
          %dma_start3A_147 = arith.constant 0 : i32
          %dma_start3A_148 = tpu.memref_slice %arg3[%dma_start3A_146, %dma_start3A_147] : memref<10112x128xf32, #tpu.memory_space<hbm>> -> memref<10112x128xf32, #tpu.memory_space<hbm>>
          tpu.enqueue_indirect_dma source(%dma_start3A_148 : memref<10112x128xf32, #tpu.memory_space<hbm>>) target(%arg12 : memref<128x128xf32, #tpu.memory_space<vmem>>) offsets(%dma_start3A_145 : memref<128xi32, #tpu.memory_space<vmem>>) semaphore(%arg14 : memref<!tpu.dma_semaphore, #tpu.memory_space<semaphore_mem>>)
        }
        %scan3A_46 = arith.constant 19 : i32
        %dma_wait3A = arith.constant 38 : i32
        %dma_wait3A_47 = arith.constant 0 : i32
        %dma_wait3A_48 = tpu.memref_slice %arg9[%dma_wait3A, %dma_wait3A_47] : memref<40x128xi32, #tpu.memory_space<vmem>> -> memref<1x128xi32, #tpu.memory_space<vmem>>
        %dma_wait3A_49 = tpu.memref_squeeze %dma_wait3A_48 : memref<1x128xi32, #tpu.memory_space<vmem>> -> memref<128xi32, #tpu.memory_space<vmem>>
        %dma_wait3A_50 = arith.constant 0 : i32
        %dma_wait3A_51 = arith.constant 0 : i32
        %dma_wait3A_52 = tpu.memref_slice %arg3[%dma_wait3A_50, %dma_wait3A_51] : memref<10112x128xf32, #tpu.memory_space<hbm>> -> memref<10112x128xf32, #tpu.memory_space<hbm>>
        tpu.wait_indirect_dma semaphore(%arg13 : memref<!tpu.dma_semaphore, #tpu.memory_space<semaphore_mem>>) src(%dma_wait3A_52 : memref<10112x128xf32, #tpu.memory_space<hbm>>) dst(%arg11 : memref<128x128xf32, #tpu.memory_space<vmem>>)
        %dma_start3A_53 = arith.constant 38 : i32
        %dma_start3A_54 = arith.constant 0 : i32
        %dma_start3A_55 = tpu.memref_slice %arg10[%dma_start3A_53, %dma_start3A_54] : memref<40x128xi32, #tpu.memory_space<vmem>> -> memref<1x128xi32, #tpu.memory_space<vmem>>
        %dma_start3A_56 = tpu.memref_squeeze %dma_start3A_55 : memref<1x128xi32, #tpu.memory_space<vmem>> -> memref<128xi32, #tpu.memory_space<vmem>>
        %dma_start3A_57 = arith.constant 0 : i32
        %dma_start3A_58 = arith.constant 0 : i32
        %dma_start3A_59 = tpu.memref_slice %arg8[%dma_start3A_57, %dma_start3A_58] : memref<10112x128xf32, #tpu.memory_space<vmem_shared>> -> memref<10112x128xf32, #tpu.memory_space<vmem_shared>>
        tpu.enqueue_indirect_dma source(%arg11 : memref<128x128xf32, #tpu.memory_space<vmem>>) target(%dma_start3A_59 : memref<10112x128xf32, #tpu.memory_space<vmem_shared>>) offsets(%dma_start3A_56 : memref<128xi32, #tpu.memory_space<vmem>>) semaphore(%arg15 : memref<!tpu.dma_semaphore, #tpu.memory_space<semaphore_mem>>) {add = true}
        %dma_wait3A_60 = arith.constant 39 : i32
        %dma_wait3A_61 = arith.constant 0 : i32
        %dma_wait3A_62 = tpu.memref_slice %arg9[%dma_wait3A_60, %dma_wait3A_61] : memref<40x128xi32, #tpu.memory_space<vmem>> -> memref<1x128xi32, #tpu.memory_space<vmem>>
        %dma_wait3A_63 = tpu.memref_squeeze %dma_wait3A_62 : memref<1x128xi32, #tpu.memory_space<vmem>> -> memref<128xi32, #tpu.memory_space<vmem>>
        %dma_wait3A_64 = arith.constant 0 : i32
        %dma_wait3A_65 = arith.constant 0 : i32
        %dma_wait3A_66 = tpu.memref_slice %arg3[%dma_wait3A_64, %dma_wait3A_65] : memref<10112x128xf32, #tpu.memory_space<hbm>> -> memref<10112x128xf32, #tpu.memory_space<hbm>>
        tpu.wait_indirect_dma semaphore(%arg14 : memref<!tpu.dma_semaphore, #tpu.memory_space<semaphore_mem>>) src(%dma_wait3A_66 : memref<10112x128xf32, #tpu.memory_space<hbm>>) dst(%arg12 : memref<128x128xf32, #tpu.memory_space<vmem>>)
        %dma_start3A_67 = arith.constant 39 : i32
        %dma_start3A_68 = arith.constant 0 : i32
        %dma_start3A_69 = tpu.memref_slice %arg10[%dma_start3A_67, %dma_start3A_68] : memref<40x128xi32, #tpu.memory_space<vmem>> -> memref<1x128xi32, #tpu.memory_space<vmem>>
        %dma_start3A_70 = tpu.memref_squeeze %dma_start3A_69 : memref<1x128xi32, #tpu.memory_space<vmem>> -> memref<128xi32, #tpu.memory_space<vmem>>
        %dma_start3A_71 = arith.constant 0 : i32
        %dma_start3A_72 = arith.constant 0 : i32
        %dma_start3A_73 = tpu.memref_slice %arg8[%dma_start3A_71, %dma_start3A_72] : memref<10112x128xf32, #tpu.memory_space<vmem_shared>> -> memref<10112x128xf32, #tpu.memory_space<vmem_shared>>
        tpu.enqueue_indirect_dma source(%arg12 : memref<128x128xf32, #tpu.memory_space<vmem>>) target(%dma_start3A_73 : memref<10112x128xf32, #tpu.memory_space<vmem_shared>>) offsets(%dma_start3A_70 : memref<128xi32, #tpu.memory_space<vmem>>) semaphore(%arg16 : memref<!tpu.dma_semaphore, #tpu.memory_space<semaphore_mem>>) {add = true}
        %dma_wait3A_74 = arith.constant 38 : i32
        %dma_wait3A_75 = arith.constant 0 : i32
        %dma_wait3A_76 = tpu.memref_slice %arg10[%dma_wait3A_74, %dma_wait3A_75] : memref<40x128xi32, #tpu.memory_space<vmem>> -> memref<1x128xi32, #tpu.memory_space<vmem>>
        %dma_wait3A_77 = tpu.memref_squeeze %dma_wait3A_76 : memref<1x128xi32, #tpu.memory_space<vmem>> -> memref<128xi32, #tpu.memory_space<vmem>>
        %dma_wait3A_78 = arith.constant 0 : i32
        %dma_wait3A_79 = arith.constant 0 : i32
        %dma_wait3A_80 = tpu.memref_slice %arg8[%dma_wait3A_78, %dma_wait3A_79] : memref<10112x128xf32, #tpu.memory_space<vmem_shared>> -> memref<10112x128xf32, #tpu.memory_space<vmem_shared>>
        tpu.wait_indirect_dma semaphore(%arg15 : memref<!tpu.dma_semaphore, #tpu.memory_space<semaphore_mem>>) src(%arg11 : memref<128x128xf32, #tpu.memory_space<vmem>>) dst(%dma_wait3A_80 : memref<10112x128xf32, #tpu.memory_space<vmem_shared>>)
        %dma_wait3A_81 = arith.constant 39 : i32
        %dma_wait3A_82 = arith.constant 0 : i32
        %dma_wait3A_83 = tpu.memref_slice %arg10[%dma_wait3A_81, %dma_wait3A_82] : memref<40x128xi32, #tpu.memory_space<vmem>> -> memref<1x128xi32, #tpu.memory_space<vmem>>
        %dma_wait3A_84 = tpu.memref_squeeze %dma_wait3A_83 : memref<1x128xi32, #tpu.memory_space<vmem>> -> memref<128xi32, #tpu.memory_space<vmem>>
        %dma_wait3A_85 = arith.constant 0 : i32
        %dma_wait3A_86 = arith.constant 0 : i32
        %dma_wait3A_87 = tpu.memref_slice %arg8[%dma_wait3A_85, %dma_wait3A_86] : memref<10112x128xf32, #tpu.memory_space<vmem_shared>> -> memref<10112x128xf32, #tpu.memory_space<vmem_shared>>
        tpu.wait_indirect_dma semaphore(%arg16 : memref<!tpu.dma_semaphore, #tpu.memory_space<semaphore_mem>>) src(%arg12 : memref<128x128xf32, #tpu.memory_space<vmem>>) dst(%dma_wait3A_87 : memref<10112x128xf32, #tpu.memory_space<vmem_shared>>)
      }
      %scan3A_16 = arith.constant 4 : i32
      %barrier3A_17 = arith.constant 0 : index
      tpu.barrier barrier_id(%barrier3A_17)
      %mul3A_18 = arith.constant 632 : i32
      %mul3A_19 = arith.muli %arg1, %mul3A_18 : i32
      %mul3A_20 = arith.constant 632 : i32
      %mul3A_21 = arith.muli %arg1, %mul3A_20 : i32
      "tpu.region"() ({
        %run_scoped3A = tpu.sem_alloc : memref<!tpu.dma_semaphore, #tpu.memory_space<semaphore_mem>>
        %dma_start3A = arith.constant 0 : i32
        %dma_start3A_22 = tpu.memref_slice %arg7[%mul3A_21, %dma_start3A] : memref<10112x128xf32, #tpu.memory_space<hbm>> -> memref<632x128xf32, #tpu.memory_space<hbm>>
        %dma_start3A_23 = arith.constant 0 : i32
        %dma_start3A_24 = tpu.memref_slice %arg8[%mul3A_19, %dma_start3A_23] : memref<10112x128xf32, #tpu.memory_space<vmem_shared>> -> memref<632x128xf32, #tpu.memory_space<vmem_shared>>
        tpu.enqueue_dma source(%dma_start3A_24 : memref<632x128xf32, #tpu.memory_space<vmem_shared>>) target(%dma_start3A_22 : memref<632x128xf32, #tpu.memory_space<hbm>>) target_semaphore(%run_scoped3A : memref<!tpu.dma_semaphore, #tpu.memory_space<semaphore_mem>>)
        %dma_wait3A = arith.constant 0 : i32
        %dma_wait3A_25 = tpu.memref_slice %arg7[%mul3A_21, %dma_wait3A] : memref<10112x128xf32, #tpu.memory_space<hbm>> -> memref<632x128xf32, #tpu.memory_space<hbm>>
        %dma_wait3A_26 = arith.constant 0 : i32
        %dma_wait3A_27 = tpu.memref_slice %arg8[%mul3A_19, %dma_wait3A_26] : memref<10112x128xf32, #tpu.memory_space<vmem_shared>> -> memref<632x128xf32, #tpu.memory_space<vmem_shared>>
        tpu.wait_dma2 semaphore(%run_scoped3A : memref<!tpu.dma_semaphore, #tpu.memory_space<semaphore_mem>>) src(%dma_wait3A_27 : memref<632x128xf32, #tpu.memory_space<vmem_shared>>) dst(%dma_wait3A_25 : memref<632x128xf32, #tpu.memory_space<hbm>>)
        tpu.yield
      }) : () -> ()
    } else {
    }
    return
  }
}

#map = affine_map<(d0, d1) -> (0, 0)>
module attributes {stable_mosaic.version = 14 : i64} {
  func.func @body(%arg0: i32, %arg1: i32, %arg2: memref<10112x128xf32, #tpu.memory_space<hbm>>, %arg3: memref<10112x128xf32, #tpu.memory_space<hbm>>, %arg4: memref<2560x128xi32, #tpu.memory_space<hbm>>, %arg5: memref<2560x128xi32, #tpu.memory_space<hbm>>, %arg6: memref<10112x128xf32, #tpu.memory_space<hbm>>, %arg7: memref<10112x128xf32, #tpu.memory_space<hbm>>, %arg8: memref<10112x128xf32, #tpu.memory_space<vmem_shared>>, %arg9: memref<40x128xi32, #tpu.memory_space<vmem>>, %arg10: memref<40x128xi32, #tpu.memory_space<vmem>>, %arg11: memref<128x128xf32, #tpu.memory_space<vmem>>, %arg12: memref<128x128xf32, #tpu.memory_space<vmem>>, %arg13: memref<!tpu.dma_semaphore, #tpu.memory_space<semaphore_mem>>, %arg14: memref<!tpu.dma_semaphore, #tpu.memory_space<semaphore_mem>>, %arg15: memref<!tpu.dma_semaphore, #tpu.memory_space<semaphore_mem>>, %arg16: memref<!tpu.dma_semaphore, #tpu.memory_space<semaphore_mem>>) attributes {dimension_semantics = [#tpu.dimension_semantics<core_parallel>, #tpu.dimension_semantics<subcore_parallel>], iteration_bounds = array<i64: 2, 16>, scalar_prefetch = 0 : i64, scratch_operands = 9 : i64, tpu.core_type = #tpu.core_type<sc_vector_subcore>, window_params = [{transform_indices = #map}, {transform_indices = #map}, {transform_indices = #map}, {transform_indices = #map}, {transform_indices = #map}, {transform_indices = #map}]} {
    %eq3A = arith.constant 0 : i32
    %eq3A_0 = arith.cmpi eq, %arg0, %eq3A : i32
    %convert_element_type3A = arith.extui %eq3A_0 : i1 to i32
    %cond3A = arith.constant 0 : i32
    %cond3A_1 = arith.cmpi ne, %convert_element_type3A, %cond3A : i32
    scf.if %cond3A_1 {
      %mul3A = arith.constant 632 : i32
      %mul3A_7 = arith.muli %arg1, %mul3A : i32
      %mul3A_8 = arith.constant 632 : i32
      %mul3A_9 = arith.muli %arg1, %mul3A_8 : i32
      "tpu.region"() ({
        %run_scoped3A = tpu.sem_alloc : memref<!tpu.dma_semaphore, #tpu.memory_space<semaphore_mem>>
        %dma_start3A = arith.constant 0 : i32
        %dma_start3A_24 = tpu.memref_slice %arg8[%mul3A_9, %dma_start3A] : memref<10112x128xf32, #tpu.memory_space<vmem_shared>> -> memref<632x128xf32, #tpu.memory_space<vmem_shared>>
        %dma_start3A_25 = arith.constant 0 : i32
        %dma_start3A_26 = tpu.memref_slice %arg2[%mul3A_7, %dma_start3A_25] : memref<10112x128xf32, #tpu.memory_space<hbm>> -> memref<632x128xf32, #tpu.memory_space<hbm>>
        tpu.enqueue_dma source(%dma_start3A_26 : memref<632x128xf32, #tpu.memory_space<hbm>>) target(%dma_start3A_24 : memref<632x128xf32, #tpu.memory_space<vmem_shared>>) target_semaphore(%run_scoped3A : memref<!tpu.dma_semaphore, #tpu.memory_space<semaphore_mem>>)
        %dma_wait3A = arith.constant 0 : i32
        %dma_wait3A_27 = tpu.memref_slice %arg8[%mul3A_9, %dma_wait3A] : memref<10112x128xf32, #tpu.memory_space<vmem_shared>> -> memref<632x128xf32, #tpu.memory_space<vmem_shared>>
        %dma_wait3A_28 = arith.constant 0 : i32
        %dma_wait3A_29 = tpu.memref_slice %arg2[%mul3A_7, %dma_wait3A_28] : memref<10112x128xf32, #tpu.memory_space<hbm>> -> memref<632x128xf32, #tpu.memory_space<hbm>>
        tpu.wait_dma2 semaphore(%run_scoped3A : memref<!tpu.dma_semaphore, #tpu.memory_space<semaphore_mem>>) src(%dma_wait3A_29 : memref<632x128xf32, #tpu.memory_space<hbm>>) dst(%dma_wait3A_27 : memref<632x128xf32, #tpu.memory_space<vmem_shared>>)
        tpu.yield
      }) : () -> ()
      %barrier3A = arith.constant 0 : index
      tpu.barrier barrier_id(%barrier3A)
      %mul3A_10 = arith.constant 16 : i32
      %mul3A_11 = arith.muli %arg0, %mul3A_10 : i32
      %add3A = arith.addi %mul3A_11, %arg1 : i32
      %mul3A_12 = arith.constant 80 : i32
      %mul3A_13 = arith.muli %add3A, %mul3A_12 : i32
      %scan3A = arith.constant 0 : i32
      %scan3A_14 = arith.constant 0 : i32
      %scan3A_15 = arith.constant 2 : i32
      %scan3A_16 = arith.addi %scan3A_14, %scan3A_15 : i32
      %scan3A_17 = arith.constant 1 : i32
      scf.for %scan3A_24 = %scan3A_14 to %scan3A_16 step %scan3A_17  : i32 {
        %mul3A_25 = arith.constant 40 : i32
        %mul3A_26 = arith.muli %scan3A_24, %mul3A_25 : i32
        %add3A_27 = arith.addi %mul3A_13, %mul3A_26 : i32
        "tpu.region"() ({
          %run_scoped3A = tpu.sem_alloc : memref<!tpu.dma_semaphore, #tpu.memory_space<semaphore_mem>>
          %dma_start3A_91 = arith.constant 0 : i32
          %dma_start3A_92 = tpu.memref_slice %arg4[%add3A_27, %dma_start3A_91] : memref<2560x128xi32, #tpu.memory_space<hbm>> -> memref<40x128xi32, #tpu.memory_space<hbm>>
          %dma_start3A_93 = arith.constant 0 : i32
          %dma_start3A_94 = tpu.memref_slice %arg4[%add3A_27, %dma_start3A_93] : memref<2560x128xi32, #tpu.memory_space<hbm>> -> memref<40x128xi32, #tpu.memory_space<hbm>>
          tpu.enqueue_dma source(%dma_start3A_94 : memref<40x128xi32, #tpu.memory_space<hbm>>) target(%arg9 : memref<40x128xi32, #tpu.memory_space<vmem>>) target_semaphore(%run_scoped3A : memref<!tpu.dma_semaphore, #tpu.memory_space<semaphore_mem>>)
          %dma_wait3A_95 = arith.constant 0 : i32
          %dma_wait3A_96 = tpu.memref_slice %arg4[%add3A_27, %dma_wait3A_95] : memref<2560x128xi32, #tpu.memory_space<hbm>> -> memref<40x128xi32, #tpu.memory_space<hbm>>
          %dma_wait3A_97 = arith.constant 0 : i32
          %dma_wait3A_98 = tpu.memref_slice %arg4[%add3A_27, %dma_wait3A_97] : memref<2560x128xi32, #tpu.memory_space<hbm>> -> memref<40x128xi32, #tpu.memory_space<hbm>>
          tpu.wait_dma2 semaphore(%run_scoped3A : memref<!tpu.dma_semaphore, #tpu.memory_space<semaphore_mem>>) src(%dma_wait3A_98 : memref<40x128xi32, #tpu.memory_space<hbm>>) dst(%arg9 : memref<40x128xi32, #tpu.memory_space<vmem>>)
          tpu.yield
        }) : () -> ()
        %mul3A_28 = arith.constant 40 : i32
        %mul3A_29 = arith.muli %scan3A_24, %mul3A_28 : i32
        %add3A_30 = arith.addi %mul3A_13, %mul3A_29 : i32
        "tpu.region"() ({
          %run_scoped3A = tpu.sem_alloc : memref<!tpu.dma_semaphore, #tpu.memory_space<semaphore_mem>>
          %dma_start3A_91 = arith.constant 0 : i32
          %dma_start3A_92 = tpu.memref_slice %arg5[%add3A_30, %dma_start3A_91] : memref<2560x128xi32, #tpu.memory_space<hbm>> -> memref<40x128xi32, #tpu.memory_space<hbm>>
          %dma_start3A_93 = arith.constant 0 : i32
          %dma_start3A_94 = tpu.memref_slice %arg5[%add3A_30, %dma_start3A_93] : memref<2560x128xi32, #tpu.memory_space<hbm>> -> memref<40x128xi32, #tpu.memory_space<hbm>>
          tpu.enqueue_dma source(%dma_start3A_94 : memref<40x128xi32, #tpu.memory_space<hbm>>) target(%arg10 : memref<40x128xi32, #tpu.memory_space<vmem>>) target_semaphore(%run_scoped3A : memref<!tpu.dma_semaphore, #tpu.memory_space<semaphore_mem>>)
          %dma_wait3A_95 = arith.constant 0 : i32
          %dma_wait3A_96 = tpu.memref_slice %arg5[%add3A_30, %dma_wait3A_95] : memref<2560x128xi32, #tpu.memory_space<hbm>> -> memref<40x128xi32, #tpu.memory_space<hbm>>
          %dma_wait3A_97 = arith.constant 0 : i32
          %dma_wait3A_98 = tpu.memref_slice %arg5[%add3A_30, %dma_wait3A_97] : memref<2560x128xi32, #tpu.memory_space<hbm>> -> memref<40x128xi32, #tpu.memory_space<hbm>>
          tpu.wait_dma2 semaphore(%run_scoped3A : memref<!tpu.dma_semaphore, #tpu.memory_space<semaphore_mem>>) src(%dma_wait3A_98 : memref<40x128xi32, #tpu.memory_space<hbm>>) dst(%arg10 : memref<40x128xi32, #tpu.memory_space<vmem>>)
          tpu.yield
        }) : () -> ()
        %dma_start3A = arith.constant 0 : i32
        %dma_start3A_31 = arith.constant 0 : i32
        %dma_start3A_32 = tpu.memref_slice %arg9[%dma_start3A, %dma_start3A_31] : memref<40x128xi32, #tpu.memory_space<vmem>> -> memref<1x128xi32, #tpu.memory_space<vmem>>
        %dma_start3A_33 = tpu.memref_squeeze %dma_start3A_32 : memref<1x128xi32, #tpu.memory_space<vmem>> -> memref<128xi32, #tpu.memory_space<vmem>>
        %dma_start3A_34 = arith.constant 0 : i32
        %dma_start3A_35 = arith.constant 0 : i32
        %dma_start3A_36 = tpu.memref_slice %arg2[%dma_start3A_34, %dma_start3A_35] : memref<10112x128xf32, #tpu.memory_space<hbm>> -> memref<10112x128xf32, #tpu.memory_space<hbm>>
        tpu.enqueue_indirect_dma source(%dma_start3A_36 : memref<10112x128xf32, #tpu.memory_space<hbm>>) target(%arg11 : memref<128x128xf32, #tpu.memory_space<vmem>>) offsets(%dma_start3A_33 : memref<128xi32, #tpu.memory_space<vmem>>) semaphore(%arg13 : memref<!tpu.dma_semaphore, #tpu.memory_space<semaphore_mem>>)
        %dma_start3A_37 = arith.constant 1 : i32
        %dma_start3A_38 = arith.constant 0 : i32
        %dma_start3A_39 = tpu.memref_slice %arg9[%dma_start3A_37, %dma_start3A_38] : memref<40x128xi32, #tpu.memory_space<vmem>> -> memref<1x128xi32, #tpu.memory_space<vmem>>
        %dma_start3A_40 = tpu.memref_squeeze %dma_start3A_39 : memref<1x128xi32, #tpu.memory_space<vmem>> -> memref<128xi32, #tpu.memory_space<vmem>>
        %dma_start3A_41 = arith.constant 0 : i32
        %dma_start3A_42 = arith.constant 0 : i32
        %dma_start3A_43 = tpu.memref_slice %arg2[%dma_start3A_41, %dma_start3A_42] : memref<10112x128xf32, #tpu.memory_space<hbm>> -> memref<10112x128xf32, #tpu.memory_space<hbm>>
        tpu.enqueue_indirect_dma source(%dma_start3A_43 : memref<10112x128xf32, #tpu.memory_space<hbm>>) target(%arg12 : memref<128x128xf32, #tpu.memory_space<vmem>>) offsets(%dma_start3A_40 : memref<128xi32, #tpu.memory_space<vmem>>) semaphore(%arg14 : memref<!tpu.dma_semaphore, #tpu.memory_space<semaphore_mem>>)
        %scan3A_44 = arith.constant 0 : i32
        %scan3A_45 = arith.constant 0 : i32
        %scan3A_46 = arith.constant 19 : i32
        %scan3A_47 = arith.addi %scan3A_45, %scan3A_46 : i32
        %scan3A_48 = arith.constant 1 : i32
        scf.for %scan3A_91 = %scan3A_45 to %scan3A_47 step %scan3A_48  : i32 {
          %mul3A_92 = arith.constant 2 : i32
          %mul3A_93 = arith.muli %mul3A_92, %scan3A_91 : i32
          %dma_wait3A_94 = arith.constant 0 : i32
          %dma_wait3A_95 = tpu.memref_slice %arg9[%mul3A_93, %dma_wait3A_94] : memref<40x128xi32, #tpu.memory_space<vmem>> -> memref<1x128xi32, #tpu.memory_space<vmem>>
          %dma_wait3A_96 = tpu.memref_squeeze %dma_wait3A_95 : memref<1x128xi32, #tpu.memory_space<vmem>> -> memref<128xi32, #tpu.memory_space<vmem>>
          %dma_wait3A_97 = arith.constant 0 : i32
          %dma_wait3A_98 = arith.constant 0 : i32
          %dma_wait3A_99 = tpu.memref_slice %arg2[%dma_wait3A_97, %dma_wait3A_98] : memref<10112x128xf32, #tpu.memory_space<hbm>> -> memref<10112x128xf32, #tpu.memory_space<hbm>>
          tpu.wait_indirect_dma semaphore(%arg13 : memref<!tpu.dma_semaphore, #tpu.memory_space<semaphore_mem>>) src(%dma_wait3A_99 : memref<10112x128xf32, #tpu.memory_space<hbm>>) dst(%arg11 : memref<128x128xf32, #tpu.memory_space<vmem>>)
          %dma_start3A_100 = arith.constant 0 : i32
          %dma_start3A_101 = tpu.memref_slice %arg10[%mul3A_93, %dma_start3A_100] : memref<40x128xi32, #tpu.memory_space<vmem>> -> memref<1x128xi32, #tpu.memory_space<vmem>>
          %dma_start3A_102 = tpu.memref_squeeze %dma_start3A_101 : memref<1x128xi32, #tpu.memory_space<vmem>> -> memref<128xi32, #tpu.memory_space<vmem>>
          %dma_start3A_103 = arith.constant 0 : i32
          %dma_start3A_104 = arith.constant 0 : i32
          %dma_start3A_105 = tpu.memref_slice %arg8[%dma_start3A_103, %dma_start3A_104] : memref<10112x128xf32, #tpu.memory_space<vmem_shared>> -> memref<10112x128xf32, #tpu.memory_space<vmem_shared>>
          tpu.enqueue_indirect_dma source(%arg11 : memref<128x128xf32, #tpu.memory_space<vmem>>) target(%dma_start3A_105 : memref<10112x128xf32, #tpu.memory_space<vmem_shared>>) offsets(%dma_start3A_102 : memref<128xi32, #tpu.memory_space<vmem>>) semaphore(%arg15 : memref<!tpu.dma_semaphore, #tpu.memory_space<semaphore_mem>>) {add = true}
          %dma_wait3A_106 = arith.constant 0 : i32
          %dma_wait3A_107 = tpu.memref_slice %arg10[%mul3A_93, %dma_wait3A_106] : memref<40x128xi32, #tpu.memory_space<vmem>> -> memref<1x128xi32, #tpu.memory_space<vmem>>
          %dma_wait3A_108 = tpu.memref_squeeze %dma_wait3A_107 : memref<1x128xi32, #tpu.memory_space<vmem>> -> memref<128xi32, #tpu.memory_space<vmem>>
          %dma_wait3A_109 = arith.constant 0 : i32
          %dma_wait3A_110 = arith.constant 0 : i32
          %dma_wait3A_111 = tpu.memref_slice %arg8[%dma_wait3A_109, %dma_wait3A_110] : memref<10112x128xf32, #tpu.memory_space<vmem_shared>> -> memref<10112x128xf32, #tpu.memory_space<vmem_shared>>
          tpu.wait_indirect_dma semaphore(%arg15 : memref<!tpu.dma_semaphore, #tpu.memory_space<semaphore_mem>>) src(%arg11 : memref<128x128xf32, #tpu.memory_space<vmem>>) dst(%dma_wait3A_111 : memref<10112x128xf32, #tpu.memory_space<vmem_shared>>)
          %add3A_112 = arith.constant 2 : i32
          %add3A_113 = arith.addi %mul3A_93, %add3A_112 : i32
          %dma_start3A_114 = arith.constant 0 : i32
          %dma_start3A_115 = tpu.memref_slice %arg9[%add3A_113, %dma_start3A_114] : memref<40x128xi32, #tpu.memory_space<vmem>> -> memref<1x128xi32, #tpu.memory_space<vmem>>
          %dma_start3A_116 = tpu.memref_squeeze %dma_start3A_115 : memref<1x128xi32, #tpu.memory_space<vmem>> -> memref<128xi32, #tpu.memory_space<vmem>>
          %dma_start3A_117 = arith.constant 0 : i32
          %dma_start3A_118 = arith.constant 0 : i32
          %dma_start3A_119 = tpu.memref_slice %arg2[%dma_start3A_117, %dma_start3A_118] : memref<10112x128xf32, #tpu.memory_space<hbm>> -> memref<10112x128xf32, #tpu.memory_space<hbm>>
          tpu.enqueue_indirect_dma source(%dma_start3A_119 : memref<10112x128xf32, #tpu.memory_space<hbm>>) target(%arg11 : memref<128x128xf32, #tpu.memory_space<vmem>>) offsets(%dma_start3A_116 : memref<128xi32, #tpu.memory_space<vmem>>) semaphore(%arg13 : memref<!tpu.dma_semaphore, #tpu.memory_space<semaphore_mem>>)
          %add3A_120 = arith.constant 1 : i32
          %add3A_121 = arith.addi %mul3A_93, %add3A_120 : i32
          %dma_wait3A_122 = arith.constant 0 : i32
          %dma_wait3A_123 = tpu.memref_slice %arg9[%add3A_121, %dma_wait3A_122] : memref<40x128xi32, #tpu.memory_space<vmem>> -> memref<1x128xi32, #tpu.memory_space<vmem>>
          %dma_wait3A_124 = tpu.memref_squeeze %dma_wait3A_123 : memref<1x128xi32, #tpu.memory_space<vmem>> -> memref<128xi32, #tpu.memory_space<vmem>>
          %dma_wait3A_125 = arith.constant 0 : i32
          %dma_wait3A_126 = arith.constant 0 : i32
          %dma_wait3A_127 = tpu.memref_slice %arg2[%dma_wait3A_125, %dma_wait3A_126] : memref<10112x128xf32, #tpu.memory_space<hbm>> -> memref<10112x128xf32, #tpu.memory_space<hbm>>
          tpu.wait_indirect_dma semaphore(%arg14 : memref<!tpu.dma_semaphore, #tpu.memory_space<semaphore_mem>>) src(%dma_wait3A_127 : memref<10112x128xf32, #tpu.memory_space<hbm>>) dst(%arg12 : memref<128x128xf32, #tpu.memory_space<vmem>>)
          %add3A_128 = arith.constant 1 : i32
          %add3A_129 = arith.addi %mul3A_93, %add3A_128 : i32
          %dma_start3A_130 = arith.constant 0 : i32
          %dma_start3A_131 = tpu.memref_slice %arg10[%add3A_129, %dma_start3A_130] : memref<40x128xi32, #tpu.memory_space<vmem>> -> memref<1x128xi32, #tpu.memory_space<vmem>>
          %dma_start3A_132 = tpu.memref_squeeze %dma_start3A_131 : memref<1x128xi32, #tpu.memory_space<vmem>> -> memref<128xi32, #tpu.memory_space<vmem>>
          %dma_start3A_133 = arith.constant 0 : i32
          %dma_start3A_134 = arith.constant 0 : i32
          %dma_start3A_135 = tpu.memref_slice %arg8[%dma_start3A_133, %dma_start3A_134] : memref<10112x128xf32, #tpu.memory_space<vmem_shared>> -> memref<10112x128xf32, #tpu.memory_space<vmem_shared>>
          tpu.enqueue_indirect_dma source(%arg12 : memref<128x128xf32, #tpu.memory_space<vmem>>) target(%dma_start3A_135 : memref<10112x128xf32, #tpu.memory_space<vmem_shared>>) offsets(%dma_start3A_132 : memref<128xi32, #tpu.memory_space<vmem>>) semaphore(%arg16 : memref<!tpu.dma_semaphore, #tpu.memory_space<semaphore_mem>>) {add = true}
          %add3A_136 = arith.constant 1 : i32
          %add3A_137 = arith.addi %mul3A_93, %add3A_136 : i32
          %dma_wait3A_138 = arith.constant 0 : i32
          %dma_wait3A_139 = tpu.memref_slice %arg10[%add3A_137, %dma_wait3A_138] : memref<40x128xi32, #tpu.memory_space<vmem>> -> memref<1x128xi32, #tpu.memory_space<vmem>>
          %dma_wait3A_140 = tpu.memref_squeeze %dma_wait3A_139 : memref<1x128xi32, #tpu.memory_space<vmem>> -> memref<128xi32, #tpu.memory_space<vmem>>
          %dma_wait3A_141 = arith.constant 0 : i32
          %dma_wait3A_142 = arith.constant 0 : i32
          %dma_wait3A_143 = tpu.memref_slice %arg8[%dma_wait3A_141, %dma_wait3A_142] : memref<10112x128xf32, #tpu.memory_space<vmem_shared>> -> memref<10112x128xf32, #tpu.memory_space<vmem_shared>>
          tpu.wait_indirect_dma semaphore(%arg16 : memref<!tpu.dma_semaphore, #tpu.memory_space<semaphore_mem>>) src(%arg12 : memref<128x128xf32, #tpu.memory_space<vmem>>) dst(%dma_wait3A_143 : memref<10112x128xf32, #tpu.memory_space<vmem_shared>>)
          %add3A_144 = arith.constant 3 : i32
          %add3A_145 = arith.addi %mul3A_93, %add3A_144 : i32
          %dma_start3A_146 = arith.constant 0 : i32
          %dma_start3A_147 = tpu.memref_slice %arg9[%add3A_145, %dma_start3A_146] : memref<40x128xi32, #tpu.memory_space<vmem>> -> memref<1x128xi32, #tpu.memory_space<vmem>>
          %dma_start3A_148 = tpu.memref_squeeze %dma_start3A_147 : memref<1x128xi32, #tpu.memory_space<vmem>> -> memref<128xi32, #tpu.memory_space<vmem>>
          %dma_start3A_149 = arith.constant 0 : i32
          %dma_start3A_150 = arith.constant 0 : i32
          %dma_start3A_151 = tpu.memref_slice %arg2[%dma_start3A_149, %dma_start3A_150] : memref<10112x128xf32, #tpu.memory_space<hbm>> -> memref<10112x128xf32, #tpu.memory_space<hbm>>
          tpu.enqueue_indirect_dma source(%dma_start3A_151 : memref<10112x128xf32, #tpu.memory_space<hbm>>) target(%arg12 : memref<128x128xf32, #tpu.memory_space<vmem>>) offsets(%dma_start3A_148 : memref<128xi32, #tpu.memory_space<vmem>>) semaphore(%arg14 : memref<!tpu.dma_semaphore, #tpu.memory_space<semaphore_mem>>)
        }
        %scan3A_49 = arith.constant 19 : i32
        %dma_wait3A = arith.constant 38 : i32
        %dma_wait3A_50 = arith.constant 0 : i32
        %dma_wait3A_51 = tpu.memref_slice %arg9[%dma_wait3A, %dma_wait3A_50] : memref<40x128xi32, #tpu.memory_space<vmem>> -> memref<1x128xi32, #tpu.memory_space<vmem>>
        %dma_wait3A_52 = tpu.memref_squeeze %dma_wait3A_51 : memref<1x128xi32, #tpu.memory_space<vmem>> -> memref<128xi32, #tpu.memory_space<vmem>>
        %dma_wait3A_53 = arith.constant 0 : i32
        %dma_wait3A_54 = arith.constant 0 : i32
        %dma_wait3A_55 = tpu.memref_slice %arg2[%dma_wait3A_53, %dma_wait3A_54] : memref<10112x128xf32, #tpu.memory_space<hbm>> -> memref<10112x128xf32, #tpu.memory_space<hbm>>
        tpu.wait_indirect_dma semaphore(%arg13 : memref<!tpu.dma_semaphore, #tpu.memory_space<semaphore_mem>>) src(%dma_wait3A_55 : memref<10112x128xf32, #tpu.memory_space<hbm>>) dst(%arg11 : memref<128x128xf32, #tpu.memory_space<vmem>>)
        %dma_start3A_56 = arith.constant 38 : i32
        %dma_start3A_57 = arith.constant 0 : i32
        %dma_start3A_58 = tpu.memref_slice %arg10[%dma_start3A_56, %dma_start3A_57] : memref<40x128xi32, #tpu.memory_space<vmem>> -> memref<1x128xi32, #tpu.memory_space<vmem>>
        %dma_start3A_59 = tpu.memref_squeeze %dma_start3A_58 : memref<1x128xi32, #tpu.memory_space<vmem>> -> memref<128xi32, #tpu.memory_space<vmem>>
        %dma_start3A_60 = arith.constant 0 : i32
        %dma_start3A_61 = arith.constant 0 : i32
        %dma_start3A_62 = tpu.memref_slice %arg8[%dma_start3A_60, %dma_start3A_61] : memref<10112x128xf32, #tpu.memory_space<vmem_shared>> -> memref<10112x128xf32, #tpu.memory_space<vmem_shared>>
        tpu.enqueue_indirect_dma source(%arg11 : memref<128x128xf32, #tpu.memory_space<vmem>>) target(%dma_start3A_62 : memref<10112x128xf32, #tpu.memory_space<vmem_shared>>) offsets(%dma_start3A_59 : memref<128xi32, #tpu.memory_space<vmem>>) semaphore(%arg15 : memref<!tpu.dma_semaphore, #tpu.memory_space<semaphore_mem>>) {add = true}
        %dma_wait3A_63 = arith.constant 39 : i32
        %dma_wait3A_64 = arith.constant 0 : i32
        %dma_wait3A_65 = tpu.memref_slice %arg9[%dma_wait3A_63, %dma_wait3A_64] : memref<40x128xi32, #tpu.memory_space<vmem>> -> memref<1x128xi32, #tpu.memory_space<vmem>>
        %dma_wait3A_66 = tpu.memref_squeeze %dma_wait3A_65 : memref<1x128xi32, #tpu.memory_space<vmem>> -> memref<128xi32, #tpu.memory_space<vmem>>
        %dma_wait3A_67 = arith.constant 0 : i32
        %dma_wait3A_68 = arith.constant 0 : i32
        %dma_wait3A_69 = tpu.memref_slice %arg2[%dma_wait3A_67, %dma_wait3A_68] : memref<10112x128xf32, #tpu.memory_space<hbm>> -> memref<10112x128xf32, #tpu.memory_space<hbm>>
        tpu.wait_indirect_dma semaphore(%arg14 : memref<!tpu.dma_semaphore, #tpu.memory_space<semaphore_mem>>) src(%dma_wait3A_69 : memref<10112x128xf32, #tpu.memory_space<hbm>>) dst(%arg12 : memref<128x128xf32, #tpu.memory_space<vmem>>)
        %dma_start3A_70 = arith.constant 39 : i32
        %dma_start3A_71 = arith.constant 0 : i32
        %dma_start3A_72 = tpu.memref_slice %arg10[%dma_start3A_70, %dma_start3A_71] : memref<40x128xi32, #tpu.memory_space<vmem>> -> memref<1x128xi32, #tpu.memory_space<vmem>>
        %dma_start3A_73 = tpu.memref_squeeze %dma_start3A_72 : memref<1x128xi32, #tpu.memory_space<vmem>> -> memref<128xi32, #tpu.memory_space<vmem>>
        %dma_start3A_74 = arith.constant 0 : i32
        %dma_start3A_75 = arith.constant 0 : i32
        %dma_start3A_76 = tpu.memref_slice %arg8[%dma_start3A_74, %dma_start3A_75] : memref<10112x128xf32, #tpu.memory_space<vmem_shared>> -> memref<10112x128xf32, #tpu.memory_space<vmem_shared>>
        tpu.enqueue_indirect_dma source(%arg12 : memref<128x128xf32, #tpu.memory_space<vmem>>) target(%dma_start3A_76 : memref<10112x128xf32, #tpu.memory_space<vmem_shared>>) offsets(%dma_start3A_73 : memref<128xi32, #tpu.memory_space<vmem>>) semaphore(%arg16 : memref<!tpu.dma_semaphore, #tpu.memory_space<semaphore_mem>>) {add = true}
        %dma_wait3A_77 = arith.constant 38 : i32
        %dma_wait3A_78 = arith.constant 0 : i32
        %dma_wait3A_79 = tpu.memref_slice %arg10[%dma_wait3A_77, %dma_wait3A_78] : memref<40x128xi32, #tpu.memory_space<vmem>> -> memref<1x128xi32, #tpu.memory_space<vmem>>
        %dma_wait3A_80 = tpu.memref_squeeze %dma_wait3A_79 : memref<1x128xi32, #tpu.memory_space<vmem>> -> memref<128xi32, #tpu.memory_space<vmem>>
        %dma_wait3A_81 = arith.constant 0 : i32
        %dma_wait3A_82 = arith.constant 0 : i32
        %dma_wait3A_83 = tpu.memref_slice %arg8[%dma_wait3A_81, %dma_wait3A_82] : memref<10112x128xf32, #tpu.memory_space<vmem_shared>> -> memref<10112x128xf32, #tpu.memory_space<vmem_shared>>
        tpu.wait_indirect_dma semaphore(%arg15 : memref<!tpu.dma_semaphore, #tpu.memory_space<semaphore_mem>>) src(%arg11 : memref<128x128xf32, #tpu.memory_space<vmem>>) dst(%dma_wait3A_83 : memref<10112x128xf32, #tpu.memory_space<vmem_shared>>)
        %dma_wait3A_84 = arith.constant 39 : i32
        %dma_wait3A_85 = arith.constant 0 : i32
        %dma_wait3A_86 = tpu.memref_slice %arg10[%dma_wait3A_84, %dma_wait3A_85] : memref<40x128xi32, #tpu.memory_space<vmem>> -> memref<1x128xi32, #tpu.memory_space<vmem>>
        %dma_wait3A_87 = tpu.memref_squeeze %dma_wait3A_86 : memref<1x128xi32, #tpu.memory_space<vmem>> -> memref<128xi32, #tpu.memory_space<vmem>>
        %dma_wait3A_88 = arith.constant 0 : i32
        %dma_wait3A_89 = arith.constant 0 : i32
        %dma_wait3A_90 = tpu.memref_slice %arg8[%dma_wait3A_88, %dma_wait3A_89] : memref<10112x128xf32, #tpu.memory_space<vmem_shared>> -> memref<10112x128xf32, #tpu.memory_space<vmem_shared>>
        tpu.wait_indirect_dma semaphore(%arg16 : memref<!tpu.dma_semaphore, #tpu.memory_space<semaphore_mem>>) src(%arg12 : memref<128x128xf32, #tpu.memory_space<vmem>>) dst(%dma_wait3A_90 : memref<10112x128xf32, #tpu.memory_space<vmem_shared>>)
      }
      %scan3A_18 = arith.constant 2 : i32
      %barrier3A_19 = arith.constant 0 : index
      tpu.barrier barrier_id(%barrier3A_19)
      %mul3A_20 = arith.constant 632 : i32
      %mul3A_21 = arith.muli %arg1, %mul3A_20 : i32
      %mul3A_22 = arith.constant 632 : i32
      %mul3A_23 = arith.muli %arg1, %mul3A_22 : i32
      "tpu.region"() ({
        %run_scoped3A = tpu.sem_alloc : memref<!tpu.dma_semaphore, #tpu.memory_space<semaphore_mem>>
        %dma_start3A = arith.constant 0 : i32
        %dma_start3A_24 = tpu.memref_slice %arg6[%mul3A_23, %dma_start3A] : memref<10112x128xf32, #tpu.memory_space<hbm>> -> memref<632x128xf32, #tpu.memory_space<hbm>>
        %dma_start3A_25 = arith.constant 0 : i32
        %dma_start3A_26 = tpu.memref_slice %arg8[%mul3A_21, %dma_start3A_25] : memref<10112x128xf32, #tpu.memory_space<vmem_shared>> -> memref<632x128xf32, #tpu.memory_space<vmem_shared>>
        tpu.enqueue_dma source(%dma_start3A_26 : memref<632x128xf32, #tpu.memory_space<vmem_shared>>) target(%dma_start3A_24 : memref<632x128xf32, #tpu.memory_space<hbm>>) target_semaphore(%run_scoped3A : memref<!tpu.dma_semaphore, #tpu.memory_space<semaphore_mem>>)
        %dma_wait3A = arith.constant 0 : i32
        %dma_wait3A_27 = tpu.memref_slice %arg6[%mul3A_23, %dma_wait3A] : memref<10112x128xf32, #tpu.memory_space<hbm>> -> memref<632x128xf32, #tpu.memory_space<hbm>>
        %dma_wait3A_28 = arith.constant 0 : i32
        %dma_wait3A_29 = tpu.memref_slice %arg8[%mul3A_21, %dma_wait3A_28] : memref<10112x128xf32, #tpu.memory_space<vmem_shared>> -> memref<632x128xf32, #tpu.memory_space<vmem_shared>>
        tpu.wait_dma2 semaphore(%run_scoped3A : memref<!tpu.dma_semaphore, #tpu.memory_space<semaphore_mem>>) src(%dma_wait3A_29 : memref<632x128xf32, #tpu.memory_space<vmem_shared>>) dst(%dma_wait3A_27 : memref<632x128xf32, #tpu.memory_space<hbm>>)
        tpu.yield
      }) : () -> ()
    } else {
    }
    %eq3A_2 = arith.constant 1 : i32
    %eq3A_3 = arith.cmpi eq, %arg0, %eq3A_2 : i32
    %convert_element_type3A_4 = arith.extui %eq3A_3 : i1 to i32
    %cond3A_5 = arith.constant 0 : i32
    %cond3A_6 = arith.cmpi ne, %convert_element_type3A_4, %cond3A_5 : i32
    scf.if %cond3A_6 {
      %mul3A = arith.constant 632 : i32
      %mul3A_7 = arith.muli %arg1, %mul3A : i32
      %mul3A_8 = arith.constant 632 : i32
      %mul3A_9 = arith.muli %arg1, %mul3A_8 : i32
      "tpu.region"() ({
        %run_scoped3A = tpu.sem_alloc : memref<!tpu.dma_semaphore, #tpu.memory_space<semaphore_mem>>
        %dma_start3A = arith.constant 0 : i32
        %dma_start3A_24 = tpu.memref_slice %arg8[%mul3A_9, %dma_start3A] : memref<10112x128xf32, #tpu.memory_space<vmem_shared>> -> memref<632x128xf32, #tpu.memory_space<vmem_shared>>
        %dma_start3A_25 = arith.constant 0 : i32
        %dma_start3A_26 = tpu.memref_slice %arg2[%mul3A_7, %dma_start3A_25] : memref<10112x128xf32, #tpu.memory_space<hbm>> -> memref<632x128xf32, #tpu.memory_space<hbm>>
        tpu.enqueue_dma source(%dma_start3A_26 : memref<632x128xf32, #tpu.memory_space<hbm>>) target(%dma_start3A_24 : memref<632x128xf32, #tpu.memory_space<vmem_shared>>) target_semaphore(%run_scoped3A : memref<!tpu.dma_semaphore, #tpu.memory_space<semaphore_mem>>)
        %dma_wait3A = arith.constant 0 : i32
        %dma_wait3A_27 = tpu.memref_slice %arg8[%mul3A_9, %dma_wait3A] : memref<10112x128xf32, #tpu.memory_space<vmem_shared>> -> memref<632x128xf32, #tpu.memory_space<vmem_shared>>
        %dma_wait3A_28 = arith.constant 0 : i32
        %dma_wait3A_29 = tpu.memref_slice %arg2[%mul3A_7, %dma_wait3A_28] : memref<10112x128xf32, #tpu.memory_space<hbm>> -> memref<632x128xf32, #tpu.memory_space<hbm>>
        tpu.wait_dma2 semaphore(%run_scoped3A : memref<!tpu.dma_semaphore, #tpu.memory_space<semaphore_mem>>) src(%dma_wait3A_29 : memref<632x128xf32, #tpu.memory_space<hbm>>) dst(%dma_wait3A_27 : memref<632x128xf32, #tpu.memory_space<vmem_shared>>)
        tpu.yield
      }) : () -> ()
      %barrier3A = arith.constant 0 : index
      tpu.barrier barrier_id(%barrier3A)
      %mul3A_10 = arith.constant 16 : i32
      %mul3A_11 = arith.muli %arg0, %mul3A_10 : i32
      %add3A = arith.addi %mul3A_11, %arg1 : i32
      %mul3A_12 = arith.constant 80 : i32
      %mul3A_13 = arith.muli %add3A, %mul3A_12 : i32
      %scan3A = arith.constant 0 : i32
      %scan3A_14 = arith.constant 0 : i32
      %scan3A_15 = arith.constant 2 : i32
      %scan3A_16 = arith.addi %scan3A_14, %scan3A_15 : i32
      %scan3A_17 = arith.constant 1 : i32
      scf.for %scan3A_24 = %scan3A_14 to %scan3A_16 step %scan3A_17  : i32 {
        %mul3A_25 = arith.constant 40 : i32
        %mul3A_26 = arith.muli %scan3A_24, %mul3A_25 : i32
        %add3A_27 = arith.addi %mul3A_13, %mul3A_26 : i32
        "tpu.region"() ({
          %run_scoped3A = tpu.sem_alloc : memref<!tpu.dma_semaphore, #tpu.memory_space<semaphore_mem>>
          %dma_start3A_91 = arith.constant 0 : i32
          %dma_start3A_92 = tpu.memref_slice %arg4[%add3A_27, %dma_start3A_91] : memref<2560x128xi32, #tpu.memory_space<hbm>> -> memref<40x128xi32, #tpu.memory_space<hbm>>
          %dma_start3A_93 = arith.constant 0 : i32
          %dma_start3A_94 = tpu.memref_slice %arg4[%add3A_27, %dma_start3A_93] : memref<2560x128xi32, #tpu.memory_space<hbm>> -> memref<40x128xi32, #tpu.memory_space<hbm>>
          tpu.enqueue_dma source(%dma_start3A_94 : memref<40x128xi32, #tpu.memory_space<hbm>>) target(%arg9 : memref<40x128xi32, #tpu.memory_space<vmem>>) target_semaphore(%run_scoped3A : memref<!tpu.dma_semaphore, #tpu.memory_space<semaphore_mem>>)
          %dma_wait3A_95 = arith.constant 0 : i32
          %dma_wait3A_96 = tpu.memref_slice %arg4[%add3A_27, %dma_wait3A_95] : memref<2560x128xi32, #tpu.memory_space<hbm>> -> memref<40x128xi32, #tpu.memory_space<hbm>>
          %dma_wait3A_97 = arith.constant 0 : i32
          %dma_wait3A_98 = tpu.memref_slice %arg4[%add3A_27, %dma_wait3A_97] : memref<2560x128xi32, #tpu.memory_space<hbm>> -> memref<40x128xi32, #tpu.memory_space<hbm>>
          tpu.wait_dma2 semaphore(%run_scoped3A : memref<!tpu.dma_semaphore, #tpu.memory_space<semaphore_mem>>) src(%dma_wait3A_98 : memref<40x128xi32, #tpu.memory_space<hbm>>) dst(%arg9 : memref<40x128xi32, #tpu.memory_space<vmem>>)
          tpu.yield
        }) : () -> ()
        %mul3A_28 = arith.constant 40 : i32
        %mul3A_29 = arith.muli %scan3A_24, %mul3A_28 : i32
        %add3A_30 = arith.addi %mul3A_13, %mul3A_29 : i32
        "tpu.region"() ({
          %run_scoped3A = tpu.sem_alloc : memref<!tpu.dma_semaphore, #tpu.memory_space<semaphore_mem>>
          %dma_start3A_91 = arith.constant 0 : i32
          %dma_start3A_92 = tpu.memref_slice %arg5[%add3A_30, %dma_start3A_91] : memref<2560x128xi32, #tpu.memory_space<hbm>> -> memref<40x128xi32, #tpu.memory_space<hbm>>
          %dma_start3A_93 = arith.constant 0 : i32
          %dma_start3A_94 = tpu.memref_slice %arg5[%add3A_30, %dma_start3A_93] : memref<2560x128xi32, #tpu.memory_space<hbm>> -> memref<40x128xi32, #tpu.memory_space<hbm>>
          tpu.enqueue_dma source(%dma_start3A_94 : memref<40x128xi32, #tpu.memory_space<hbm>>) target(%arg10 : memref<40x128xi32, #tpu.memory_space<vmem>>) target_semaphore(%run_scoped3A : memref<!tpu.dma_semaphore, #tpu.memory_space<semaphore_mem>>)
          %dma_wait3A_95 = arith.constant 0 : i32
          %dma_wait3A_96 = tpu.memref_slice %arg5[%add3A_30, %dma_wait3A_95] : memref<2560x128xi32, #tpu.memory_space<hbm>> -> memref<40x128xi32, #tpu.memory_space<hbm>>
          %dma_wait3A_97 = arith.constant 0 : i32
          %dma_wait3A_98 = tpu.memref_slice %arg5[%add3A_30, %dma_wait3A_97] : memref<2560x128xi32, #tpu.memory_space<hbm>> -> memref<40x128xi32, #tpu.memory_space<hbm>>
          tpu.wait_dma2 semaphore(%run_scoped3A : memref<!tpu.dma_semaphore, #tpu.memory_space<semaphore_mem>>) src(%dma_wait3A_98 : memref<40x128xi32, #tpu.memory_space<hbm>>) dst(%arg10 : memref<40x128xi32, #tpu.memory_space<vmem>>)
          tpu.yield
        }) : () -> ()
        %dma_start3A = arith.constant 0 : i32
        %dma_start3A_31 = arith.constant 0 : i32
        %dma_start3A_32 = tpu.memref_slice %arg9[%dma_start3A, %dma_start3A_31] : memref<40x128xi32, #tpu.memory_space<vmem>> -> memref<1x128xi32, #tpu.memory_space<vmem>>
        %dma_start3A_33 = tpu.memref_squeeze %dma_start3A_32 : memref<1x128xi32, #tpu.memory_space<vmem>> -> memref<128xi32, #tpu.memory_space<vmem>>
        %dma_start3A_34 = arith.constant 0 : i32
        %dma_start3A_35 = arith.constant 0 : i32
        %dma_start3A_36 = tpu.memref_slice %arg2[%dma_start3A_34, %dma_start3A_35] : memref<10112x128xf32, #tpu.memory_space<hbm>> -> memref<10112x128xf32, #tpu.memory_space<hbm>>
        tpu.enqueue_indirect_dma source(%dma_start3A_36 : memref<10112x128xf32, #tpu.memory_space<hbm>>) target(%arg11 : memref<128x128xf32, #tpu.memory_space<vmem>>) offsets(%dma_start3A_33 : memref<128xi32, #tpu.memory_space<vmem>>) semaphore(%arg13 : memref<!tpu.dma_semaphore, #tpu.memory_space<semaphore_mem>>)
        %dma_start3A_37 = arith.constant 1 : i32
        %dma_start3A_38 = arith.constant 0 : i32
        %dma_start3A_39 = tpu.memref_slice %arg9[%dma_start3A_37, %dma_start3A_38] : memref<40x128xi32, #tpu.memory_space<vmem>> -> memref<1x128xi32, #tpu.memory_space<vmem>>
        %dma_start3A_40 = tpu.memref_squeeze %dma_start3A_39 : memref<1x128xi32, #tpu.memory_space<vmem>> -> memref<128xi32, #tpu.memory_space<vmem>>
        %dma_start3A_41 = arith.constant 0 : i32
        %dma_start3A_42 = arith.constant 0 : i32
        %dma_start3A_43 = tpu.memref_slice %arg2[%dma_start3A_41, %dma_start3A_42] : memref<10112x128xf32, #tpu.memory_space<hbm>> -> memref<10112x128xf32, #tpu.memory_space<hbm>>
        tpu.enqueue_indirect_dma source(%dma_start3A_43 : memref<10112x128xf32, #tpu.memory_space<hbm>>) target(%arg12 : memref<128x128xf32, #tpu.memory_space<vmem>>) offsets(%dma_start3A_40 : memref<128xi32, #tpu.memory_space<vmem>>) semaphore(%arg14 : memref<!tpu.dma_semaphore, #tpu.memory_space<semaphore_mem>>)
        %scan3A_44 = arith.constant 0 : i32
        %scan3A_45 = arith.constant 0 : i32
        %scan3A_46 = arith.constant 19 : i32
        %scan3A_47 = arith.addi %scan3A_45, %scan3A_46 : i32
        %scan3A_48 = arith.constant 1 : i32
        scf.for %scan3A_91 = %scan3A_45 to %scan3A_47 step %scan3A_48  : i32 {
          %mul3A_92 = arith.constant 2 : i32
          %mul3A_93 = arith.muli %mul3A_92, %scan3A_91 : i32
          %dma_wait3A_94 = arith.constant 0 : i32
          %dma_wait3A_95 = tpu.memref_slice %arg9[%mul3A_93, %dma_wait3A_94] : memref<40x128xi32, #tpu.memory_space<vmem>> -> memref<1x128xi32, #tpu.memory_space<vmem>>
          %dma_wait3A_96 = tpu.memref_squeeze %dma_wait3A_95 : memref<1x128xi32, #tpu.memory_space<vmem>> -> memref<128xi32, #tpu.memory_space<vmem>>
          %dma_wait3A_97 = arith.constant 0 : i32
          %dma_wait3A_98 = arith.constant 0 : i32
          %dma_wait3A_99 = tpu.memref_slice %arg2[%dma_wait3A_97, %dma_wait3A_98] : memref<10112x128xf32, #tpu.memory_space<hbm>> -> memref<10112x128xf32, #tpu.memory_space<hbm>>
          tpu.wait_indirect_dma semaphore(%arg13 : memref<!tpu.dma_semaphore, #tpu.memory_space<semaphore_mem>>) src(%dma_wait3A_99 : memref<10112x128xf32, #tpu.memory_space<hbm>>) dst(%arg11 : memref<128x128xf32, #tpu.memory_space<vmem>>)
          %dma_start3A_100 = arith.constant 0 : i32
          %dma_start3A_101 = tpu.memref_slice %arg10[%mul3A_93, %dma_start3A_100] : memref<40x128xi32, #tpu.memory_space<vmem>> -> memref<1x128xi32, #tpu.memory_space<vmem>>
          %dma_start3A_102 = tpu.memref_squeeze %dma_start3A_101 : memref<1x128xi32, #tpu.memory_space<vmem>> -> memref<128xi32, #tpu.memory_space<vmem>>
          %dma_start3A_103 = arith.constant 0 : i32
          %dma_start3A_104 = arith.constant 0 : i32
          %dma_start3A_105 = tpu.memref_slice %arg8[%dma_start3A_103, %dma_start3A_104] : memref<10112x128xf32, #tpu.memory_space<vmem_shared>> -> memref<10112x128xf32, #tpu.memory_space<vmem_shared>>
          tpu.enqueue_indirect_dma source(%arg11 : memref<128x128xf32, #tpu.memory_space<vmem>>) target(%dma_start3A_105 : memref<10112x128xf32, #tpu.memory_space<vmem_shared>>) offsets(%dma_start3A_102 : memref<128xi32, #tpu.memory_space<vmem>>) semaphore(%arg15 : memref<!tpu.dma_semaphore, #tpu.memory_space<semaphore_mem>>) {add = true}
          %dma_wait3A_106 = arith.constant 0 : i32
          %dma_wait3A_107 = tpu.memref_slice %arg10[%mul3A_93, %dma_wait3A_106] : memref<40x128xi32, #tpu.memory_space<vmem>> -> memref<1x128xi32, #tpu.memory_space<vmem>>
          %dma_wait3A_108 = tpu.memref_squeeze %dma_wait3A_107 : memref<1x128xi32, #tpu.memory_space<vmem>> -> memref<128xi32, #tpu.memory_space<vmem>>
          %dma_wait3A_109 = arith.constant 0 : i32
          %dma_wait3A_110 = arith.constant 0 : i32
          %dma_wait3A_111 = tpu.memref_slice %arg8[%dma_wait3A_109, %dma_wait3A_110] : memref<10112x128xf32, #tpu.memory_space<vmem_shared>> -> memref<10112x128xf32, #tpu.memory_space<vmem_shared>>
          tpu.wait_indirect_dma semaphore(%arg15 : memref<!tpu.dma_semaphore, #tpu.memory_space<semaphore_mem>>) src(%arg11 : memref<128x128xf32, #tpu.memory_space<vmem>>) dst(%dma_wait3A_111 : memref<10112x128xf32, #tpu.memory_space<vmem_shared>>)
          %add3A_112 = arith.constant 2 : i32
          %add3A_113 = arith.addi %mul3A_93, %add3A_112 : i32
          %dma_start3A_114 = arith.constant 0 : i32
          %dma_start3A_115 = tpu.memref_slice %arg9[%add3A_113, %dma_start3A_114] : memref<40x128xi32, #tpu.memory_space<vmem>> -> memref<1x128xi32, #tpu.memory_space<vmem>>
          %dma_start3A_116 = tpu.memref_squeeze %dma_start3A_115 : memref<1x128xi32, #tpu.memory_space<vmem>> -> memref<128xi32, #tpu.memory_space<vmem>>
          %dma_start3A_117 = arith.constant 0 : i32
          %dma_start3A_118 = arith.constant 0 : i32
          %dma_start3A_119 = tpu.memref_slice %arg2[%dma_start3A_117, %dma_start3A_118] : memref<10112x128xf32, #tpu.memory_space<hbm>> -> memref<10112x128xf32, #tpu.memory_space<hbm>>
          tpu.enqueue_indirect_dma source(%dma_start3A_119 : memref<10112x128xf32, #tpu.memory_space<hbm>>) target(%arg11 : memref<128x128xf32, #tpu.memory_space<vmem>>) offsets(%dma_start3A_116 : memref<128xi32, #tpu.memory_space<vmem>>) semaphore(%arg13 : memref<!tpu.dma_semaphore, #tpu.memory_space<semaphore_mem>>)
          %add3A_120 = arith.constant 1 : i32
          %add3A_121 = arith.addi %mul3A_93, %add3A_120 : i32
          %dma_wait3A_122 = arith.constant 0 : i32
          %dma_wait3A_123 = tpu.memref_slice %arg9[%add3A_121, %dma_wait3A_122] : memref<40x128xi32, #tpu.memory_space<vmem>> -> memref<1x128xi32, #tpu.memory_space<vmem>>
          %dma_wait3A_124 = tpu.memref_squeeze %dma_wait3A_123 : memref<1x128xi32, #tpu.memory_space<vmem>> -> memref<128xi32, #tpu.memory_space<vmem>>
          %dma_wait3A_125 = arith.constant 0 : i32
          %dma_wait3A_126 = arith.constant 0 : i32
          %dma_wait3A_127 = tpu.memref_slice %arg2[%dma_wait3A_125, %dma_wait3A_126] : memref<10112x128xf32, #tpu.memory_space<hbm>> -> memref<10112x128xf32, #tpu.memory_space<hbm>>
          tpu.wait_indirect_dma semaphore(%arg14 : memref<!tpu.dma_semaphore, #tpu.memory_space<semaphore_mem>>) src(%dma_wait3A_127 : memref<10112x128xf32, #tpu.memory_space<hbm>>) dst(%arg12 : memref<128x128xf32, #tpu.memory_space<vmem>>)
          %add3A_128 = arith.constant 1 : i32
          %add3A_129 = arith.addi %mul3A_93, %add3A_128 : i32
          %dma_start3A_130 = arith.constant 0 : i32
          %dma_start3A_131 = tpu.memref_slice %arg10[%add3A_129, %dma_start3A_130] : memref<40x128xi32, #tpu.memory_space<vmem>> -> memref<1x128xi32, #tpu.memory_space<vmem>>
          %dma_start3A_132 = tpu.memref_squeeze %dma_start3A_131 : memref<1x128xi32, #tpu.memory_space<vmem>> -> memref<128xi32, #tpu.memory_space<vmem>>
          %dma_start3A_133 = arith.constant 0 : i32
          %dma_start3A_134 = arith.constant 0 : i32
          %dma_start3A_135 = tpu.memref_slice %arg8[%dma_start3A_133, %dma_start3A_134] : memref<10112x128xf32, #tpu.memory_space<vmem_shared>> -> memref<10112x128xf32, #tpu.memory_space<vmem_shared>>
          tpu.enqueue_indirect_dma source(%arg12 : memref<128x128xf32, #tpu.memory_space<vmem>>) target(%dma_start3A_135 : memref<10112x128xf32, #tpu.memory_space<vmem_shared>>) offsets(%dma_start3A_132 : memref<128xi32, #tpu.memory_space<vmem>>) semaphore(%arg16 : memref<!tpu.dma_semaphore, #tpu.memory_space<semaphore_mem>>) {add = true}
          %add3A_136 = arith.constant 1 : i32
          %add3A_137 = arith.addi %mul3A_93, %add3A_136 : i32
          %dma_wait3A_138 = arith.constant 0 : i32
          %dma_wait3A_139 = tpu.memref_slice %arg10[%add3A_137, %dma_wait3A_138] : memref<40x128xi32, #tpu.memory_space<vmem>> -> memref<1x128xi32, #tpu.memory_space<vmem>>
          %dma_wait3A_140 = tpu.memref_squeeze %dma_wait3A_139 : memref<1x128xi32, #tpu.memory_space<vmem>> -> memref<128xi32, #tpu.memory_space<vmem>>
          %dma_wait3A_141 = arith.constant 0 : i32
          %dma_wait3A_142 = arith.constant 0 : i32
          %dma_wait3A_143 = tpu.memref_slice %arg8[%dma_wait3A_141, %dma_wait3A_142] : memref<10112x128xf32, #tpu.memory_space<vmem_shared>> -> memref<10112x128xf32, #tpu.memory_space<vmem_shared>>
          tpu.wait_indirect_dma semaphore(%arg16 : memref<!tpu.dma_semaphore, #tpu.memory_space<semaphore_mem>>) src(%arg12 : memref<128x128xf32, #tpu.memory_space<vmem>>) dst(%dma_wait3A_143 : memref<10112x128xf32, #tpu.memory_space<vmem_shared>>)
          %add3A_144 = arith.constant 3 : i32
          %add3A_145 = arith.addi %mul3A_93, %add3A_144 : i32
          %dma_start3A_146 = arith.constant 0 : i32
          %dma_start3A_147 = tpu.memref_slice %arg9[%add3A_145, %dma_start3A_146] : memref<40x128xi32, #tpu.memory_space<vmem>> -> memref<1x128xi32, #tpu.memory_space<vmem>>
          %dma_start3A_148 = tpu.memref_squeeze %dma_start3A_147 : memref<1x128xi32, #tpu.memory_space<vmem>> -> memref<128xi32, #tpu.memory_space<vmem>>
          %dma_start3A_149 = arith.constant 0 : i32
          %dma_start3A_150 = arith.constant 0 : i32
          %dma_start3A_151 = tpu.memref_slice %arg2[%dma_start3A_149, %dma_start3A_150] : memref<10112x128xf32, #tpu.memory_space<hbm>> -> memref<10112x128xf32, #tpu.memory_space<hbm>>
          tpu.enqueue_indirect_dma source(%dma_start3A_151 : memref<10112x128xf32, #tpu.memory_space<hbm>>) target(%arg12 : memref<128x128xf32, #tpu.memory_space<vmem>>) offsets(%dma_start3A_148 : memref<128xi32, #tpu.memory_space<vmem>>) semaphore(%arg14 : memref<!tpu.dma_semaphore, #tpu.memory_space<semaphore_mem>>)
        }
        %scan3A_49 = arith.constant 19 : i32
        %dma_wait3A = arith.constant 38 : i32
        %dma_wait3A_50 = arith.constant 0 : i32
        %dma_wait3A_51 = tpu.memref_slice %arg9[%dma_wait3A, %dma_wait3A_50] : memref<40x128xi32, #tpu.memory_space<vmem>> -> memref<1x128xi32, #tpu.memory_space<vmem>>
        %dma_wait3A_52 = tpu.memref_squeeze %dma_wait3A_51 : memref<1x128xi32, #tpu.memory_space<vmem>> -> memref<128xi32, #tpu.memory_space<vmem>>
        %dma_wait3A_53 = arith.constant 0 : i32
        %dma_wait3A_54 = arith.constant 0 : i32
        %dma_wait3A_55 = tpu.memref_slice %arg2[%dma_wait3A_53, %dma_wait3A_54] : memref<10112x128xf32, #tpu.memory_space<hbm>> -> memref<10112x128xf32, #tpu.memory_space<hbm>>
        tpu.wait_indirect_dma semaphore(%arg13 : memref<!tpu.dma_semaphore, #tpu.memory_space<semaphore_mem>>) src(%dma_wait3A_55 : memref<10112x128xf32, #tpu.memory_space<hbm>>) dst(%arg11 : memref<128x128xf32, #tpu.memory_space<vmem>>)
        %dma_start3A_56 = arith.constant 38 : i32
        %dma_start3A_57 = arith.constant 0 : i32
        %dma_start3A_58 = tpu.memref_slice %arg10[%dma_start3A_56, %dma_start3A_57] : memref<40x128xi32, #tpu.memory_space<vmem>> -> memref<1x128xi32, #tpu.memory_space<vmem>>
        %dma_start3A_59 = tpu.memref_squeeze %dma_start3A_58 : memref<1x128xi32, #tpu.memory_space<vmem>> -> memref<128xi32, #tpu.memory_space<vmem>>
        %dma_start3A_60 = arith.constant 0 : i32
        %dma_start3A_61 = arith.constant 0 : i32
        %dma_start3A_62 = tpu.memref_slice %arg8[%dma_start3A_60, %dma_start3A_61] : memref<10112x128xf32, #tpu.memory_space<vmem_shared>> -> memref<10112x128xf32, #tpu.memory_space<vmem_shared>>
        tpu.enqueue_indirect_dma source(%arg11 : memref<128x128xf32, #tpu.memory_space<vmem>>) target(%dma_start3A_62 : memref<10112x128xf32, #tpu.memory_space<vmem_shared>>) offsets(%dma_start3A_59 : memref<128xi32, #tpu.memory_space<vmem>>) semaphore(%arg15 : memref<!tpu.dma_semaphore, #tpu.memory_space<semaphore_mem>>) {add = true}
        %dma_wait3A_63 = arith.constant 39 : i32
        %dma_wait3A_64 = arith.constant 0 : i32
        %dma_wait3A_65 = tpu.memref_slice %arg9[%dma_wait3A_63, %dma_wait3A_64] : memref<40x128xi32, #tpu.memory_space<vmem>> -> memref<1x128xi32, #tpu.memory_space<vmem>>
        %dma_wait3A_66 = tpu.memref_squeeze %dma_wait3A_65 : memref<1x128xi32, #tpu.memory_space<vmem>> -> memref<128xi32, #tpu.memory_space<vmem>>
        %dma_wait3A_67 = arith.constant 0 : i32
        %dma_wait3A_68 = arith.constant 0 : i32
        %dma_wait3A_69 = tpu.memref_slice %arg2[%dma_wait3A_67, %dma_wait3A_68] : memref<10112x128xf32, #tpu.memory_space<hbm>> -> memref<10112x128xf32, #tpu.memory_space<hbm>>
        tpu.wait_indirect_dma semaphore(%arg14 : memref<!tpu.dma_semaphore, #tpu.memory_space<semaphore_mem>>) src(%dma_wait3A_69 : memref<10112x128xf32, #tpu.memory_space<hbm>>) dst(%arg12 : memref<128x128xf32, #tpu.memory_space<vmem>>)
        %dma_start3A_70 = arith.constant 39 : i32
        %dma_start3A_71 = arith.constant 0 : i32
        %dma_start3A_72 = tpu.memref_slice %arg10[%dma_start3A_70, %dma_start3A_71] : memref<40x128xi32, #tpu.memory_space<vmem>> -> memref<1x128xi32, #tpu.memory_space<vmem>>
        %dma_start3A_73 = tpu.memref_squeeze %dma_start3A_72 : memref<1x128xi32, #tpu.memory_space<vmem>> -> memref<128xi32, #tpu.memory_space<vmem>>
        %dma_start3A_74 = arith.constant 0 : i32
        %dma_start3A_75 = arith.constant 0 : i32
        %dma_start3A_76 = tpu.memref_slice %arg8[%dma_start3A_74, %dma_start3A_75] : memref<10112x128xf32, #tpu.memory_space<vmem_shared>> -> memref<10112x128xf32, #tpu.memory_space<vmem_shared>>
        tpu.enqueue_indirect_dma source(%arg12 : memref<128x128xf32, #tpu.memory_space<vmem>>) target(%dma_start3A_76 : memref<10112x128xf32, #tpu.memory_space<vmem_shared>>) offsets(%dma_start3A_73 : memref<128xi32, #tpu.memory_space<vmem>>) semaphore(%arg16 : memref<!tpu.dma_semaphore, #tpu.memory_space<semaphore_mem>>) {add = true}
        %dma_wait3A_77 = arith.constant 38 : i32
        %dma_wait3A_78 = arith.constant 0 : i32
        %dma_wait3A_79 = tpu.memref_slice %arg10[%dma_wait3A_77, %dma_wait3A_78] : memref<40x128xi32, #tpu.memory_space<vmem>> -> memref<1x128xi32, #tpu.memory_space<vmem>>
        %dma_wait3A_80 = tpu.memref_squeeze %dma_wait3A_79 : memref<1x128xi32, #tpu.memory_space<vmem>> -> memref<128xi32, #tpu.memory_space<vmem>>
        %dma_wait3A_81 = arith.constant 0 : i32
        %dma_wait3A_82 = arith.constant 0 : i32
        %dma_wait3A_83 = tpu.memref_slice %arg8[%dma_wait3A_81, %dma_wait3A_82] : memref<10112x128xf32, #tpu.memory_space<vmem_shared>> -> memref<10112x128xf32, #tpu.memory_space<vmem_shared>>
        tpu.wait_indirect_dma semaphore(%arg15 : memref<!tpu.dma_semaphore, #tpu.memory_space<semaphore_mem>>) src(%arg11 : memref<128x128xf32, #tpu.memory_space<vmem>>) dst(%dma_wait3A_83 : memref<10112x128xf32, #tpu.memory_space<vmem_shared>>)
        %dma_wait3A_84 = arith.constant 39 : i32
        %dma_wait3A_85 = arith.constant 0 : i32
        %dma_wait3A_86 = tpu.memref_slice %arg10[%dma_wait3A_84, %dma_wait3A_85] : memref<40x128xi32, #tpu.memory_space<vmem>> -> memref<1x128xi32, #tpu.memory_space<vmem>>
        %dma_wait3A_87 = tpu.memref_squeeze %dma_wait3A_86 : memref<1x128xi32, #tpu.memory_space<vmem>> -> memref<128xi32, #tpu.memory_space<vmem>>
        %dma_wait3A_88 = arith.constant 0 : i32
        %dma_wait3A_89 = arith.constant 0 : i32
        %dma_wait3A_90 = tpu.memref_slice %arg8[%dma_wait3A_88, %dma_wait3A_89] : memref<10112x128xf32, #tpu.memory_space<vmem_shared>> -> memref<10112x128xf32, #tpu.memory_space<vmem_shared>>
        tpu.wait_indirect_dma semaphore(%arg16 : memref<!tpu.dma_semaphore, #tpu.memory_space<semaphore_mem>>) src(%arg12 : memref<128x128xf32, #tpu.memory_space<vmem>>) dst(%dma_wait3A_90 : memref<10112x128xf32, #tpu.memory_space<vmem_shared>>)
      }
      %scan3A_18 = arith.constant 2 : i32
      %barrier3A_19 = arith.constant 0 : index
      tpu.barrier barrier_id(%barrier3A_19)
      %mul3A_20 = arith.constant 632 : i32
      %mul3A_21 = arith.muli %arg1, %mul3A_20 : i32
      %mul3A_22 = arith.constant 632 : i32
      %mul3A_23 = arith.muli %arg1, %mul3A_22 : i32
      "tpu.region"() ({
        %run_scoped3A = tpu.sem_alloc : memref<!tpu.dma_semaphore, #tpu.memory_space<semaphore_mem>>
        %dma_start3A = arith.constant 0 : i32
        %dma_start3A_24 = tpu.memref_slice %arg7[%mul3A_23, %dma_start3A] : memref<10112x128xf32, #tpu.memory_space<hbm>> -> memref<632x128xf32, #tpu.memory_space<hbm>>
        %dma_start3A_25 = arith.constant 0 : i32
        %dma_start3A_26 = tpu.memref_slice %arg8[%mul3A_21, %dma_start3A_25] : memref<10112x128xf32, #tpu.memory_space<vmem_shared>> -> memref<632x128xf32, #tpu.memory_space<vmem_shared>>
        tpu.enqueue_dma source(%dma_start3A_26 : memref<632x128xf32, #tpu.memory_space<vmem_shared>>) target(%dma_start3A_24 : memref<632x128xf32, #tpu.memory_space<hbm>>) target_semaphore(%run_scoped3A : memref<!tpu.dma_semaphore, #tpu.memory_space<semaphore_mem>>)
        %dma_wait3A = arith.constant 0 : i32
        %dma_wait3A_27 = tpu.memref_slice %arg7[%mul3A_23, %dma_wait3A] : memref<10112x128xf32, #tpu.memory_space<hbm>> -> memref<632x128xf32, #tpu.memory_space<hbm>>
        %dma_wait3A_28 = arith.constant 0 : i32
        %dma_wait3A_29 = tpu.memref_slice %arg8[%mul3A_21, %dma_wait3A_28] : memref<10112x128xf32, #tpu.memory_space<vmem_shared>> -> memref<632x128xf32, #tpu.memory_space<vmem_shared>>
        tpu.wait_dma2 semaphore(%run_scoped3A : memref<!tpu.dma_semaphore, #tpu.memory_space<semaphore_mem>>) src(%dma_wait3A_29 : memref<632x128xf32, #tpu.memory_space<vmem_shared>>) dst(%dma_wait3A_27 : memref<632x128xf32, #tpu.memory_space<hbm>>)
        tpu.yield
      }) : () -> ()
    } else {
    }
    return
  }
}

module attributes {stable_mosaic.version = 14 : i64} {
  func.func @body(%arg0: i32, %arg1: memref<400x128xf32, #tpu.memory_space<vmem>>, %arg2: memref<400x128xf32, #tpu.memory_space<vmem>>, %arg3: memref<400x128xf32, #tpu.memory_space<vmem>>, %arg4: memref<128x256xf32, #tpu.memory_space<vmem>>, %arg5: memref<1x256xf32, #tpu.memory_space<vmem>>, %arg6: memref<256x256xf32, #tpu.memory_space<vmem>>, %arg7: memref<1x256xf32, #tpu.memory_space<vmem>>, %arg8: memref<400x128xf32, #tpu.memory_space<vmem>>, %arg9: memref<400x128xf32, #tpu.memory_space<vmem>>) attributes {dimension_semantics = [#tpu.dimension_semantics<arbitrary>], iteration_bounds = array<i64: 25>, scalar_prefetch = 0 : i64, scratch_operands = 0 : i64, tpu.core_type = #tpu.core_type<tc>, window_params = [{transform_indices = @transform_0, window_bounds = array<i64: 400, 128>}, {transform_indices = @transform_1, window_bounds = array<i64: 400, 128>}, {transform_indices = @transform_2, window_bounds = array<i64: 400, 128>}, {pipeline_mode = #tpu.pipeline_mode<synchronous>, transform_indices = @transform_3, window_bounds = array<i64: 128, 256>}, {pipeline_mode = #tpu.pipeline_mode<synchronous>, transform_indices = @transform_4, window_bounds = array<i64: 1, 256>}, {pipeline_mode = #tpu.pipeline_mode<synchronous>, transform_indices = @transform_5, window_bounds = array<i64: 256, 256>}, {pipeline_mode = #tpu.pipeline_mode<synchronous>, transform_indices = @transform_6, window_bounds = array<i64: 1, 256>}, {transform_indices = @transform_7, window_bounds = array<i64: 400, 128>}, {transform_indices = @transform_8, window_bounds = array<i64: 400, 128>}]} {
    %get3A = arith.constant 0 : index
    %get3A_0 = arith.constant 0 : index
    %get3A_1 = vector.load %arg1[%get3A, %get3A_0] : memref<400x128xf32, #tpu.memory_space<vmem>>, vector<400x128xf32>
    %get3A_2 = arith.constant 0 : index
    %get3A_3 = arith.constant 0 : index
    %get3A_4 = vector.load %arg2[%get3A_2, %get3A_3] : memref<400x128xf32, #tpu.memory_space<vmem>>, vector<400x128xf32>
    %add3A = arith.addf %get3A_1, %get3A_4 : vector<400x128xf32>
    %get3A_5 = arith.constant 0 : index
    %get3A_6 = arith.constant 0 : index
    %get3A_7 = vector.load %arg3[%get3A_5, %get3A_6] : memref<400x128xf32, #tpu.memory_space<vmem>>, vector<400x128xf32>
    %mul3A = arith.constant -1.000000e+00 : f32
    %mul3A_8 = vector.broadcast %mul3A : f32 to vector<400x128xf32>
    %mul3A_9 = arith.mulf %mul3A_8, %get3A_7 : vector<400x128xf32>
    %add3A_10 = arith.addf %add3A, %mul3A_9 : vector<400x128xf32>
    %get3A_11 = arith.constant 0 : index
    %get3A_12 = arith.constant 0 : index
    %get3A_13 = vector.load %arg4[%get3A_11, %get3A_12] : memref<128x256xf32, #tpu.memory_space<vmem>>, vector<128x256xf32>
    %dot_general3A = arith.constant dense<0.000000e+00> : vector<400x256xf32>
    %dot_general3A_14 = tpu.matmul %add3A_10, %get3A_13, %dot_general3A {dimension_numbers = #tpu.dot_dimension_numbers<[1], [0], [0], [1], [0, 0, 1, 1], [], []>, transpose_lhs_hint = false} : vector<400x128xf32>, vector<128x256xf32>, vector<400x256xf32> -> vector<400x256xf32>
    %get3A_15 = arith.constant 0 : index
    %get3A_16 = arith.constant 0 : index
    %get3A_17 = vector.load %arg5[%get3A_15, %get3A_16] : memref<1x256xf32, #tpu.memory_space<vmem>>, vector<1x256xf32>
    %add3A_18 = vector.broadcast %get3A_17 : vector<1x256xf32> to vector<400x256xf32>
    %add3A_19 = arith.addf %dot_general3A_14, %add3A_18 : vector<400x256xf32>
    %max3A = arith.constant 0.000000e+00 : f32
    %max3A_20 = vector.broadcast %max3A : f32 to vector<400x256xf32>
    %max3A_21 = arith.maximumf %add3A_19, %max3A_20 : vector<400x256xf32>
    %get3A_22 = arith.constant 0 : index
    %get3A_23 = arith.constant 0 : index
    %get3A_24 = vector.load %arg6[%get3A_22, %get3A_23] : memref<256x256xf32, #tpu.memory_space<vmem>>, vector<256x256xf32>
    %dot_general3A_25 = arith.constant dense<0.000000e+00> : vector<400x256xf32>
    %dot_general3A_26 = tpu.matmul %max3A_21, %get3A_24, %dot_general3A_25 {dimension_numbers = #tpu.dot_dimension_numbers<[1], [0], [0], [1], [0, 0, 1, 1], [], []>, transpose_lhs_hint = false} : vector<400x256xf32>, vector<256x256xf32>, vector<400x256xf32> -> vector<400x256xf32>
    %get3A_27 = arith.constant 0 : index
    %get3A_28 = arith.constant 0 : index
    %get3A_29 = vector.load %arg7[%get3A_27, %get3A_28] : memref<1x256xf32, #tpu.memory_space<vmem>>, vector<1x256xf32>
    %add3A_30 = vector.broadcast %get3A_29 : vector<1x256xf32> to vector<400x256xf32>
    %add3A_31 = arith.addf %dot_general3A_26, %add3A_30 : vector<400x256xf32>
    %max3A_32 = arith.constant 0.000000e+00 : f32
    %max3A_33 = vector.broadcast %max3A_32 : f32 to vector<400x256xf32>
    %max3A_34 = arith.maximumf %add3A_31, %max3A_33 : vector<400x256xf32>
    %slice3A = vector.extract_strided_slice %max3A_34 {offsets = [0, 0], sizes = [400, 128], strides = [1, 1]} : vector<400x256xf32> to vector<400x128xf32>
    %swap3A = arith.constant 0 : index
    %swap3A_35 = arith.constant 0 : index
    %swap3A_36 = vector.load %arg8[%swap3A, %swap3A_35] : memref<400x128xf32, #tpu.memory_space<vmem>>, vector<400x128xf32>
    tpu.vector_store %arg8[%swap3A, %swap3A_35], %slice3A {strides = array<i32>} : memref<400x128xf32, #tpu.memory_space<vmem>>, vector<400x128xf32>,
    %slice3A_37 = vector.extract_strided_slice %max3A_34 {offsets = [0, 128], sizes = [400, 128], strides = [1, 1]} : vector<400x256xf32> to vector<400x128xf32>
    %swap3A_38 = arith.constant 0 : index
    %swap3A_39 = arith.constant 0 : index
    %swap3A_40 = vector.load %arg9[%swap3A_38, %swap3A_39] : memref<400x128xf32, #tpu.memory_space<vmem>>, vector<400x128xf32>
    tpu.vector_store %arg9[%swap3A_38, %swap3A_39], %slice3A_37 {strides = array<i32>} : memref<400x128xf32, #tpu.memory_space<vmem>>, vector<400x128xf32>,
    return
  }
  func.func @transform_0(%arg0: i32) -> (i32, i32) {
    %c0_i32 = arith.constant 0 : i32
    %c0_i32_0 = arith.constant 0 : i32
    return %arg0, %c0_i32 : i32, i32
  }
  func.func @transform_1(%arg0: i32) -> (i32, i32) {
    %c0_i32 = arith.constant 0 : i32
    %c0_i32_0 = arith.constant 0 : i32
    return %arg0, %c0_i32 : i32, i32
  }
  func.func @transform_2(%arg0: i32) -> (i32, i32) {
    %c0_i32 = arith.constant 0 : i32
    %c0_i32_0 = arith.constant 0 : i32
    return %arg0, %c0_i32 : i32, i32
  }
  func.func @transform_3(%arg0: i32) -> (i32, i32) {
    %c0_i32 = arith.constant 0 : i32
    %c0_i32_0 = arith.constant 0 : i32
    %c0_i32_1 = arith.constant 0 : i32
    return %c0_i32, %c0_i32_0 : i32, i32
  }
  func.func @transform_4(%arg0: i32) -> (i32, i32) {
    %c0_i32 = arith.constant 0 : i32
    %c0_i32_0 = arith.constant 0 : i32
    %c0_i32_1 = arith.constant 0 : i32
    return %c0_i32, %c0_i32_0 : i32, i32
  }
  func.func @transform_5(%arg0: i32) -> (i32, i32) {
    %c0_i32 = arith.constant 0 : i32
    %c0_i32_0 = arith.constant 0 : i32
    %c0_i32_1 = arith.constant 0 : i32
    return %c0_i32, %c0_i32_0 : i32, i32
  }
  func.func @transform_6(%arg0: i32) -> (i32, i32) {
    %c0_i32 = arith.constant 0 : i32
    %c0_i32_0 = arith.constant 0 : i32
    %c0_i32_1 = arith.constant 0 : i32
    return %c0_i32, %c0_i32_0 : i32, i32
  }
  func.func @transform_7(%arg0: i32) -> (i32, i32) {
    %c0_i32 = arith.constant 0 : i32
    %c0_i32_0 = arith.constant 0 : i32
    return %arg0, %c0_i32 : i32, i32
  }
  func.func @transform_8(%arg0: i32) -> (i32, i32) {
    %c0_i32 = arith.constant 0 : i32
    %c0_i32_0 = arith.constant 0 : i32
    return %arg0, %c0_i32 : i32, i32
  }
}

module attributes {stable_mosaic.version = 14 : i64} {
  func.func @body(%arg0: i32, %arg1: memref<400x128xf32, #tpu.memory_space<vmem>>, %arg2: memref<400x128xf32, #tpu.memory_space<vmem>>, %arg3: memref<400x128xf32, #tpu.memory_space<vmem>>, %arg4: memref<400x128xf32, #tpu.memory_space<vmem>>, %arg5: memref<256x256xf32, #tpu.memory_space<vmem>>, %arg6: memref<1x256xf32, #tpu.memory_space<vmem>>, %arg7: memref<256x128xf32, #tpu.memory_space<vmem>>, %arg8: memref<1x128xf32, #tpu.memory_space<vmem>>, %arg9: memref<400x128xf32, #tpu.memory_space<vmem>>) attributes {dimension_semantics = [#tpu.dimension_semantics<arbitrary>], iteration_bounds = array<i64: 25>, scalar_prefetch = 0 : i64, scratch_operands = 0 : i64, tpu.core_type = #tpu.core_type<tc>, window_params = [{transform_indices = @transform_0, window_bounds = array<i64: 400, 128>}, {transform_indices = @transform_1, window_bounds = array<i64: 400, 128>}, {transform_indices = @transform_2, window_bounds = array<i64: 400, 128>}, {transform_indices = @transform_3, window_bounds = array<i64: 400, 128>}, {pipeline_mode = #tpu.pipeline_mode<synchronous>, transform_indices = @transform_4, window_bounds = array<i64: 256, 256>}, {pipeline_mode = #tpu.pipeline_mode<synchronous>, transform_indices = @transform_5, window_bounds = array<i64: 1, 256>}, {pipeline_mode = #tpu.pipeline_mode<synchronous>, transform_indices = @transform_6, window_bounds = array<i64: 256, 128>}, {pipeline_mode = #tpu.pipeline_mode<synchronous>, transform_indices = @transform_7, window_bounds = array<i64: 1, 128>}, {transform_indices = @transform_8, window_bounds = array<i64: 400, 128>}]} {
    %get3A = arith.constant 0 : index
    %get3A_0 = arith.constant 0 : index
    %get3A_1 = vector.load %arg1[%get3A, %get3A_0] : memref<400x128xf32, #tpu.memory_space<vmem>>, vector<400x128xf32>
    %get3A_2 = arith.constant 0 : index
    %get3A_3 = arith.constant 0 : index
    %get3A_4 = vector.load %arg3[%get3A_2, %get3A_3] : memref<400x128xf32, #tpu.memory_space<vmem>>, vector<400x128xf32>
    %mul3A = arith.constant 9.99999982E-14 : f32
    %mul3A_5 = vector.broadcast %mul3A : f32 to vector<400x128xf32>
    %mul3A_6 = arith.mulf %mul3A_5, %get3A_4 : vector<400x128xf32>
    %add3A = arith.addf %get3A_1, %mul3A_6 : vector<400x128xf32>
    %get3A_7 = arith.constant 0 : index
    %get3A_8 = arith.constant 0 : index
    %get3A_9 = vector.load %arg2[%get3A_7, %get3A_8] : memref<400x128xf32, #tpu.memory_space<vmem>>, vector<400x128xf32>
    %get3A_10 = arith.constant 0 : index
    %get3A_11 = arith.constant 0 : index
    %get3A_12 = vector.load %arg4[%get3A_10, %get3A_11] : memref<400x128xf32, #tpu.memory_space<vmem>>, vector<400x128xf32>
    %mul3A_13 = arith.constant 9.99999982E-14 : f32
    %mul3A_14 = vector.broadcast %mul3A_13 : f32 to vector<400x128xf32>
    %mul3A_15 = arith.mulf %mul3A_14, %get3A_12 : vector<400x128xf32>
    %add3A_16 = arith.addf %get3A_9, %mul3A_15 : vector<400x128xf32>
    %concatenate3A = tpu.concatenate %add3A, %add3A_16 in 1 : vector<400x128xf32>, vector<400x128xf32> -> vector<400x256xf32>
    %get3A_17 = arith.constant 0 : index
    %get3A_18 = arith.constant 0 : index
    %get3A_19 = vector.load %arg5[%get3A_17, %get3A_18] : memref<256x256xf32, #tpu.memory_space<vmem>>, vector<256x256xf32>
    %dot_general3A = arith.constant dense<0.000000e+00> : vector<400x256xf32>
    %dot_general3A_20 = tpu.matmul %concatenate3A, %get3A_19, %dot_general3A {dimension_numbers = #tpu.dot_dimension_numbers<[1], [0], [0], [1], [0, 0, 1, 1], [], []>, transpose_lhs_hint = false} : vector<400x256xf32>, vector<256x256xf32>, vector<400x256xf32> -> vector<400x256xf32>
    %get3A_21 = arith.constant 0 : index
    %get3A_22 = arith.constant 0 : index
    %get3A_23 = vector.load %arg6[%get3A_21, %get3A_22] : memref<1x256xf32, #tpu.memory_space<vmem>>, vector<1x256xf32>
    %add3A_24 = vector.broadcast %get3A_23 : vector<1x256xf32> to vector<400x256xf32>
    %add3A_25 = arith.addf %dot_general3A_20, %add3A_24 : vector<400x256xf32>
    %max3A = arith.constant 0.000000e+00 : f32
    %max3A_26 = vector.broadcast %max3A : f32 to vector<400x256xf32>
    %max3A_27 = arith.maximumf %add3A_25, %max3A_26 : vector<400x256xf32>
    %get3A_28 = arith.constant 0 : index
    %get3A_29 = arith.constant 0 : index
    %get3A_30 = vector.load %arg7[%get3A_28, %get3A_29] : memref<256x128xf32, #tpu.memory_space<vmem>>, vector<256x128xf32>
    %dot_general3A_31 = arith.constant dense<0.000000e+00> : vector<400x128xf32>
    %dot_general3A_32 = tpu.matmul %max3A_27, %get3A_30, %dot_general3A_31 {dimension_numbers = #tpu.dot_dimension_numbers<[1], [0], [0], [1], [0, 0, 1, 1], [], []>, transpose_lhs_hint = false} : vector<400x256xf32>, vector<256x128xf32>, vector<400x128xf32> -> vector<400x128xf32>
    %get3A_33 = arith.constant 0 : index
    %get3A_34 = arith.constant 0 : index
    %get3A_35 = vector.load %arg8[%get3A_33, %get3A_34] : memref<1x128xf32, #tpu.memory_space<vmem>>, vector<1x128xf32>
    %add3A_36 = vector.broadcast %get3A_35 : vector<1x128xf32> to vector<400x128xf32>
    %add3A_37 = arith.addf %dot_general3A_32, %add3A_36 : vector<400x128xf32>
    %swap3A = arith.constant 0 : index
    %swap3A_38 = arith.constant 0 : index
    %swap3A_39 = vector.load %arg9[%swap3A, %swap3A_38] : memref<400x128xf32, #tpu.memory_space<vmem>>, vector<400x128xf32>
    tpu.vector_store %arg9[%swap3A, %swap3A_38], %add3A_37 {strides = array<i32>} : memref<400x128xf32, #tpu.memory_space<vmem>>, vector<400x128xf32>,
    return
  }
  func.func @transform_0(%arg0: i32) -> (i32, i32) {
    %c0_i32 = arith.constant 0 : i32
    %c0_i32_0 = arith.constant 0 : i32
    return %arg0, %c0_i32 : i32, i32
  }
  func.func @transform_1(%arg0: i32) -> (i32, i32) {
    %c0_i32 = arith.constant 0 : i32
    %c0_i32_0 = arith.constant 0 : i32
    return %arg0, %c0_i32 : i32, i32
  }
  func.func @transform_2(%arg0: i32) -> (i32, i32) {
    %c0_i32 = arith.constant 0 : i32
    %c0_i32_0 = arith.constant 0 : i32
    return %arg0, %c0_i32 : i32, i32
  }
  func.func @transform_3(%arg0: i32) -> (i32, i32) {
    %c0_i32 = arith.constant 0 : i32
    %c0_i32_0 = arith.constant 0 : i32
    return %arg0, %c0_i32 : i32, i32
  }
  func.func @transform_4(%arg0: i32) -> (i32, i32) {
    %c0_i32 = arith.constant 0 : i32
    %c0_i32_0 = arith.constant 0 : i32
    %c0_i32_1 = arith.constant 0 : i32
    return %c0_i32, %c0_i32_0 : i32, i32
  }
  func.func @transform_5(%arg0: i32) -> (i32, i32) {
    %c0_i32 = arith.constant 0 : i32
    %c0_i32_0 = arith.constant 0 : i32
    %c0_i32_1 = arith.constant 0 : i32
    return %c0_i32, %c0_i32_0 : i32, i32
  }
  func.func @transform_6(%arg0: i32) -> (i32, i32) {
    %c0_i32 = arith.constant 0 : i32
    %c0_i32_0 = arith.constant 0 : i32
    %c0_i32_1 = arith.constant 0 : i32
    return %c0_i32, %c0_i32_0 : i32, i32
  }
  func.func @transform_7(%arg0: i32) -> (i32, i32) {
    %c0_i32 = arith.constant 0 : i32
    %c0_i32_0 = arith.constant 0 : i32
    %c0_i32_1 = arith.constant 0 : i32
    return %c0_i32, %c0_i32_0 : i32, i32
  }
  func.func @transform_8(%arg0: i32) -> (i32, i32) {
    %c0_i32 = arith.constant 0 : i32
    %c0_i32_0 = arith.constant 0 : i32
    return %arg0, %c0_i32 : i32, i32
  }
}

</mosaic_0001>

<sc_bundles>
// kernel: kernel.6.cloned.1.call-start
scs
__scs_entry_jumppad:
0x0: {  	(pc) =	sbr.rel $0x88, $3  }
0x1: {  	(tag) =	ssettag $0x0;
	lr =	simm.s32 $0x1  }
0x2: {  	[smem:$0x3F97] =	sst lr;
	_ =	strace $0xD0000000  }
0x3: {  	_ = 	snop  }
0x4: {  	_ = 	snop  }
0x5: {  	_ = 	snop  }
0x6: {  	_ = 	snop  }
0x7: {  	_ = 	snop  }
__scs_overlays_trampoline_lowered:
0x8: {  	[smem:$0x3FA6] =	sst s0  }
0x9: {  	[smem:$0x3FA7] =	sst s1  }
0xa: {  	[smem:$0x3FA8] =	sst s2  }
0xb: {  	[smem:$0x3FA9] =	sst s3  }
0xc: {  	[smem:$0x3FAA] =	sst s4  }
0xd: {  	[smem:$0x3FAB] =	sst s5  }
0xe: {  	[smem:$0x3FAC] =	sst s6  }
0xf: {  	[smem:$0x3FAD] =	sst s7  }
0x10: {  	[smem:$0x3FAE] =	sst s8  }
0x11: {  	[smem:$0x3FAF] =	sst s9;
	s0 =	simm.s32 @!p0 $0x0  }
0x12: {  	s1 =	sld [smem:$0x3F95];
	s0 =	simm.s32 @p0 $0x1  }
0x13: {  	[smem:$0x3FB0] =	sst s0;
	s0 =	simm.s32 @!p1 $0x0  }
0x14: {  	s2 =	sld [smem:$0x3F94];
	s0 =	simm.s32 @p1 $0x1  }
0x15: {  	[smem:$0x3FB1] =	sst s0;
	s0 =	simm.s32 @!p2 $0x0  }
0x16: {  	s3 =	sld [smem:$0x3FDB];
	s0 =	simm.s32 @p2 $0x1  }
0x17: {  	s4 =	simm.s32 $0x1BF5;
	[smem:$0x3FB3] =	sst s0  }
0x18: {  	s0 =	sld [smem:$0x3F96];
	_ =	swait.ge [sflag:s4], $0x0  }
0x19: {  	s7 =	sld [smem:$0x3F97]  }
0x1a: {  	s8 =	sadd.s32 $0xFFFFE003, lr  }
0x1b: {  	s9 =	sadd.s32 $0xFFFFFEF7, lr;
	s5 =	simm.s32 $0xFFFFFFFF;
	p2 =	slt.u32 s8, $0xFFFFF086  }
0x1c: {  	p1 =	slt.u32 s9, $0xF7A;
	s5 =	simm.s32 @!p2 $0x0  }
0x1d: {  	s5 =	simm.s32 @p1 $0x1;
	p0 =	seq.s32 s7, s2  }
0x1e: {  	s7 =	smul.u32 @!p0 $0xF7A, s2;
	p2 =	seq.s32 @!p0 s5, $0x0  }
0x1f: {  	s9 =	smul.u32 $0xF7A, s1;
	s8 =	simm.s32 @!p0 $0x1BF5;
	p2 =	por !p2, p0  }
0x20: {  	[sflag:s8] =	ssyncset.s32 @!p0 $0xFFFFF086;
	s6 =	sadd.s32 @!p0 s3, s7;
	s7 =	simm.s32 @!p0 $0x108  }
0x21: {  	s3 =	sadd.s32 s3, s9;
	s6 =	sadd.s32 @!p0 $0x88, s6;
	s7 =	simm.s32 @p2 $0x1082  }
0x22: {  	[simem:s7], [sflag:s8] =	dma.local @!p0 [hbm:s6], $0xF7A  }
0x23: {  	s9 =	sor.u32 $0xD0000000, s2;
	s6 =	simm.s32 $0x108;
	_ =	swait.ge @!p0 [sflag:s8], $0x0  }
0x24: {  	s3 =	sadd.s32 $0x88, s3;
	s6 =	simm.s32 @!p1 $0x1082;
	[sflag:s4] =	ssyncset.s32 $0xFFFFF086  }
0x25: {  	[simem:s6], [sflag:s4] =	dma.local [hbm:s3], $0xF7A  }
0x26: {  	[smem:$0x3F97] =	sst s1;
	(tag) =	ssettag s2;
	_ =	strace s9  }
0x27: {  	s1 =	sld [smem:$0x3FA7]  }
0x28: {  	s2 =	sld [smem:$0x3FA8]  }
0x29: {  	s4 =	sld [smem:$0x3FAA]  }
0x2a: {  	p0 =	seq.s32 s5, $0x0;
	s5 =	sld [smem:$0x3FAB]  }
0x2b: {  	s6 =	sld [smem:$0x3FAC]  }
0x2c: {  	s7 =	sld [smem:$0x3FAD]  }
0x2d: {  	s3 =	simm.s32 $0x108;
	s8 =	sld [smem:$0x3FAE]  }
0x2e: {  	s3 =	simm.s32 @!p0 $0x1082;
	s9 =	sld [smem:$0x3FAF]  }
0x2f: {  	lr =	sadd.s32 s0, s3;
	s0 =	sld [smem:$0x3FA6]  }
0x30: {  	s3 =	sld [smem:$0x3FA9]  }
0x31: {  	[smem:$0x3FB2] =	sst s10  }
0x32: {  	s10 =	sld [smem:$0x3FB0];
	_ =	sdelay $0x3  }
0x33: {  	p0 =	seq.s32 s10, $0x1;
	s10 =	sld [smem:$0x3FB2];
	_ =	sdelay $0x3  }
0x34: {  	[smem:$0x3FB2] =	sst s10  }
0x35: {  	s10 =	sld [smem:$0x3FB1];
	_ =	sdelay $0x3  }
0x36: {  	p1 =	seq.s32 s10, $0x1;
	s10 =	sld [smem:$0x3FB2];
	_ =	sdelay $0x3  }
0x37: {  	[smem:$0x3FB2] =	sst s10  }
0x38: {  	s10 =	sld [smem:$0x3FB3]  }
0x39: {  	_ = 	snop;
	(pc) =	sbr.ind lr, $3  }
0x3a: {  	_ = 	snop  }
0x3b: {  	_ = 	snop  }
0x3c: {  	p2 =	seq.s32 s10, $0x1;
	s10 =	sld [smem:$0x3FB2]  }
0x3d: {  	_ =	shalt  }
0x3e: {  	_ =	shalt  }
0x3f: {  	_ =	shalt  }
0x40: {  	_ =	shalt  }
0x41: {  	_ =	shalt  }
0x42: {  	_ =	shalt  }
0x43: {  	_ =	shalt  }
0x44: {  	_ =	shalt  }
0x45: {  	_ =	shalt  }
0x46: {  	_ =	shalt  }
0x47: {  	_ =	shalt  }
0x48: {  	_ =	shalt  }
0x49: {  	_ =	shalt  }
0x4a: {  	_ =	shalt  }
0x4b: {  	_ =	shalt  }
0x4c: {  	_ =	shalt  }
0x4d: {  	_ =	shalt  }
0x4e: {  	_ =	shalt  }
0x4f: {  	_ =	shalt  }
0x50: {  	_ =	shalt  }
0x51: {  	_ =	shalt  }
0x52: {  	_ =	shalt  }
0x53: {  	_ =	shalt  }
0x54: {  	_ =	shalt  }
0x55: {  	_ =	shalt  }
0x56: {  	_ =	shalt  }
0x57: {  	_ =	shalt  }
0x58: {  	_ =	shalt  }
0x59: {  	_ =	shalt  }
0x5a: {  	_ =	shalt  }
0x5b: {  	_ =	shalt  }
0x5c: {  	_ =	shalt  }
0x5d: {  	_ =	shalt  }
0x5e: {  	_ =	shalt  }
0x5f: {  	_ =	shalt  }
0x60: {  	_ =	shalt  }
0x61: {  	_ =	shalt  }
0x62: {  	_ =	shalt  }
0x63: {  	_ =	shalt  }
0x64: {  	_ =	shalt  }
0x65: {  	_ =	shalt  }
0x66: {  	_ =	shalt  }
0x67: {  	_ =	shalt  }
0x68: {  	_ =	shalt  }
0x69: {  	_ =	shalt  }
0x6a: {  	_ =	shalt  }
0x6b: {  	_ =	shalt  }
0x6c: {  	_ =	shalt  }
0x6d: {  	_ =	shalt  }
0x6e: {  	_ =	shalt  }
0x6f: {  	_ =	shalt  }
0x70: {  	_ =	shalt  }
0x71: {  	_ =	shalt  }
0x72: {  	_ =	shalt  }
0x73: {  	_ =	shalt  }
0x74: {  	_ =	shalt  }
0x75: {  	_ =	shalt  }
0x76: {  	_ =	shalt  }
0x77: {  	_ =	shalt  }
0x78: {  	_ =	shalt  }
0x79: {  	_ =	shalt  }
0x7a: {  	_ =	shalt  }
0x7b: {  	_ =	shalt  }
0x7c: {  	_ =	shalt  }
0x7d: {  	_ =	shalt  }
0x7e: {  	_ =	shalt  }
0x7f: {  	_ =	shalt  }
0x80: {  	_ =	shalt  }
0x81: {  	_ =	shalt  }
0x82: {  	_ =	shalt  }
0x83: {  	_ =	shalt  }
0x84: {  	_ =	shalt  }
0x85: {  	_ =	shalt  }
0x86: {  	_ =	shalt  }
0x87: {  	_ =	shalt  }
.Lfunc_end0:
.L_simem_size_0:
called_computation_lowered:
.L_overlay_start_0:
0x88: {  	s2 =	sld [smem:$0x3FD9]  }
0x89: {  	s3 =	sld [smem:$0x3FFE];
	_ =	sdelay $0x1  }
0x8a: {  	s1 =	srdreg.scid  }
0x8b: {  	s0 =	sand.u32 $0x1, s1  }
0x8c: {  	s17 =	sshll.u32 s0, $0xA;
	s2 =	sadd.s32 s3, s2  }
0x8d: {  	s2 =	sadd.s32 s2, s17  }
0x8e: {  	[smem:$0x3FBE] =	sst s2  }
0x8f: {  	_ = 	snop  }
0x90: {  	s2 =	sld [smem:$0x3FD0];
	(tm) =	ssettm $0x1  }
0x91: {  	s18 =	sld [smem:$0x3FFB];
	_ =	sdelay $0x3  }
0x92: {  	_ =	strace s18  }
0x93: {  	s3 =	sld [smem:$0x3FFC];
	_ =	sdelay $0x3  }
0x94: {  	_ =	strace s3  }
0x95: {  	s3 =	sld [smem:$0x3FFD];
	_ =	sdelay $0x3  }
0x96: {  	_ =	strace s3  }
0x97: {  	_ =	strace $0x8FFFFFFF  }
0x98: {  	s19 =	sld [smem:$0x3FDB];
	_ =	sdelay $0x1  }
0x99: {  	s4 =	simm.s32 $_scs_section_size  }
0x9a: {  	s5 =	simm.s32 $_size__tile_overlayer_lowered;
	s6 =	simm.s32 $_tile_overlayer_lowered  }
0x9b: {  	s22 =	simm.s32 $0x1BFF;
	s21 =	sshll.u32 s6, $0x1;
	s3 =	sadd.s32 s4, s19  }
0x9c: {  	s7 =	simm.s32 $0x0;
	s20 =	sshll.u32 s5, $0x1;
	s5 =	sadd.s32 s21, s3  }
0x9d: {  	[timem:s7], [sflag:s22] =	dma.local [hbm:s5], s20  }
0x9e: {  	_ =	swait.ge [sflag:s22], s20  }
0x9f: {  	s4 =	ssub.s32 $0x0, s20;
	[sflag:s22] =	ssyncset.done $0x0  }
0xa0: {  	[sflag:s22] =	ssyncadd.s32 s4;
	_ =	sdelay $0x1  }
0xa1: {  	s23 =	simm.s32 $0x1B8B  }
0xa2: {  	_ =	swait.ge [sflag:s23], $0x1  }
0xa3: {  	[sflag:s23] =	ssyncset.done $0x0  }
0xa4: {  	s25 =	simm.s32 $0x1B8E;
	s24 =	sld [smem:$0x3FFE];
	[sflag:s23] =	ssyncadd.s32 $0xFFFFFFFF  }
0xa5: {  	s26 =	simm.s32 $execute0_lowered;
	[smem:$0x3FD2] =	sst s25  }
0xa6: {  	s5 =	sshll.u32 s26, $0x1;
	_ =	strace $0x80000046;
	[dreg:$0x1] =	wrdreg $0xFFFFFFFF  }
0xa7: {  	s28 =	simm.s32 $_size_execute0_lowered;
	s3 =	sadd.s32 s3, s5;
	[dreg:$0x0] =	wrdreg $0x0  }
0xa8: {  	s5 =	sshll.u32 s28, $0x1;
	[dreg:$0x2] =	wrdreg s3  }
0xa9: {  	[dreg:$0x3] =	wrdreg s5  }
0xaa: {  	[dreg:$0x4] =	wrdreg $0xC0  }
0xab: {  	_ =	task [dreg:s7], $0x5FFFF  }
0xac: {  	[dreg:$0x1] =	wrdreg $0xFFFFFFFF  }
0xad: {  	[dreg:$0x0] =	wrdreg $0x60  }
0xae: {  	[dreg:$0x2] =	wrdreg s24  }
0xaf: {  	[dreg:$0x3] =	wrdreg s2  }
0xb0: {  	[dreg:$0x4] =	wrdreg $0x0  }
0xb1: {  	[dreg:$0x5] =	wrdreg $0x9  }
0xb2: {  	_ =	task.clear_ibuf [dreg:s7], $0x6FFFF;
	_ =	strace $0x90000046  }
0xb3: {  	s29 =	simm.s32 $0x9;
	_ =	strace $0x80000048  }
0xb4: {  	_ =	swait.ge [sflag:s29], $0x1  }
0xb5: {  	[sflag:s29] =	ssyncadd.s32 $0xFFFFFFFF  }
0xb6: {  	_ =	strace $0x90000048  }
0xb7: {  	_ =	sfence  }
0xb8: {  	s30 =	sld [smem:$0x0];
	_ =	sdelay $0x2  }
0xb9: {  	s31 =	sshll.u32 s1, $0xD;
	s1 =	sshrl.u32 s1, $0x2  }
0xba: {  	s3 =	sand.u32 $0x4000, s31;
	s1 =	sadd.s32 s1, s30  }
0xbb: {  	s0 =	sor.u32 s3, s0;
	s1 =	sshll.u32 s1, $0x11  }
0xbc: {  	s0 =	sor.u32 s1, s0  }
0xbd: {  	s0 =	sadd.s32 $0x8F2B, s0  }
0xbe: {  	[sflag:s0] =	ssyncadd.remote.s32 $0x1  }
0xbf: {  	_ =	sfence.sel $0xFFFF  }
0xc0: {  	[dreg:$0x0] =	wrdreg $0xFFFFFFFF;
	(pc) =	sbr.abs _section_cstart, $3  }
0xc1: {  	[dreg:$0x1] =	wrdreg $0xFFFFFFFF  }
0xc2: {  	_ =	task.clear_ibuf [dreg:s7], $0x2FFFF;
	_ =	strace $0x9FFFFFFF  }
0xc3: {  	(tm) =	ssettm $0x7FFFFFFF  }
tec
execute0_lowered:
.L_overlay_start_1:
0x0: {  	(tag) =	ssettag $0x1  }
0x1: {  	s0 =	rddreg [dreg:$0x0]  }
0x2: {  	s3 =	rddreg [dreg:$0x1]  }
0x3: {  	s1 =	rddreg [dreg:$0x2];
	s2 =	simm.s32 $0x0  }
0x4: {  	s5 =	srdreg.scid;
	s10 =	stileid.u32;
	s28 =	simm.s32 $0x1  }
0x5: {  	s29 =	simm.s32 $0x3;
	s30 =	simm.s32 $0x2;
	s31 =	simm.s32 $0x4  }
0x6: {  	[smem:$0x7FF] =	sst s2;
	s4 =	sadd.s32 $0xDA00, s0;
	s5 =	sand.u32 $0x1, s5  }
0x7: {  	s6 =	sadd.s32 $0x3A00, s0;
	s8 =	sadd.s32 $0x35200, s0;
	s9 =	smul.u32 $0x4F000, s10  }
0x8: {  	s0 =	sadd.s32 $0x5CA00, s0;
	s16 =	smul.u32 $0x500, s10;
	s26 =	sshll.u32 s10, $0x6  }
0x9: {  	_ =	strace $0x80000047;
	s7 =	ssub.s32 $0x2, s5;
	[dreg:$0x4] =	wrdreg s8  }
0xa: {  	[dreg:$0x5] =	wrdreg s0;
	p0 =	seq.s32 s5, $0x1;
	s18 =	sor.u32 $0x1C05, s26  }
0xb: {  	s26 =	simm.s32 $0x1A400;
	s0 =	simm.s32 $0x16300;
	s19 =	sshrl.u32 s7, $0x1  }
0xc: {  	s21 =	sshrl.u32 s9, $0x2;
	s22 =	sadd.s32 s6, s16;
	s11 =	sadd.s32 s3, s16  }
0xd: {  	s23 =	sadd.s32 $0x280, s16;
	s24 =	sadd.s32 $0x5000, s16;
	s25 =	sadd.s32 $0x5280, s16  }
0xe: {  	s20 =	ssub.s32 s7, s19;
	s7 =	smul.u32 $0x2780, s10;
	s5 =	sadd.s32 s21, s1  }
0xf: {  	[dreg:$0x6] =	wrdreg s22;
	s12 =	sadd.s32 s6, s23;
	s13 =	sadd.s32 s3, s23  }
.Ltmp0:
0x10: {  	s14 =	sadd.s32 s6, s24;
	s15 =	sadd.s32 s3, s24;
	(pc) =	sbr.rel .LBB2_1-.Ltmp0, $4  }
0x11: {  	s16 =	sadd.s32 s6, s25;
	s17 =	sadd.s32 s3, s25;
	s21 =	simm.s32 $0x13C00  }
0x12: {  	s22 =	simm.s32 $0x15000;
	s23 =	simm.s32 $0x80;
	s24 =	simm.s32 $0x16400  }
0x13: {  	s25 =	simm.s32 $0x13C80;
	s3 =	simm.s32 $0x16380;
	s9 =	smax.u32 s20, $0x1  }
0x14: {  	s19 =	sshrl.u32 s5, $0x3;
	s20 =	simm.s32 $0x5;
	s8 =	sadd.s32 s4, s7  }
.LBB2_11:
0x15: {  	[tilespmem:s26], [sflag:$0x2] =	stream.indirect.gather [hbm4b:s4+s23], $0x80, s6, s23, $0xb8;
	[tilespmem:$0x1E400] =	vst v63  }
0x16: {  	s5 =	rddreg [dreg:$0x5]  }
.LBB2_12:
0x17: {  	_ =	swait.ge [sflag:s28], $0x4000  }
0x18: {  	[sflag:s28] =	ssyncset.done $0x0  }
0x19: {  	[sflag:s28] =	ssyncadd.s32 $0xFFFFC000  }
0x1a: {  	[spmem:s1] =	stream.indirect.scatter.add.f32 [tilespmem:s24], [sflag:$0x3], $0x80, s0, s23, $0xb8;
	[tilespmem:$0x1E400] =	vst v63  }
0x1b: {  	_ =	swait.ge [sflag:s30], $0x4000  }
0x1c: {  	[sflag:s30] =	ssyncset.done $0x0  }
0x1d: {  	[sflag:s30] =	ssyncadd.s32 $0xFFFFC000  }
0x1e: {  	[spmem:s1] =	stream.indirect.scatter.add.f32 [tilespmem:s26], [sflag:$0x4], $0x80, s3, s23, $0xb8;
	[tilespmem:$0x1E400] =	vst v63  }
0x1f: {  	_ =	swait.ge [sflag:s29], $0x4000  }
0x20: {  	[sflag:s29] =	ssyncset.done $0x0  }
0x21: {  	[sflag:s29] =	ssyncadd.s32 $0xFFFFC000  }
0x22: {  	_ =	swait.ge [sflag:s31], $0x4000  }
0x23: {  	s2 =	sadd.s32 $0x1, s2;
	[sflag:s31] =	ssyncset.done $0x0  }
0x24: {  	p1 =	sne.s32 s2, s9;
	[sflag:s31] =	ssyncadd.s32 $0xFFFFC000  }
.Ltmp1:
0x25: {  	s5 =	sadd.s32 s5, s7;
	[bflag:$0x0] =	sbarrier.arrive $0xFFFF;
	(pc) =	sbr.rel @!p1 .LBB2_13-.Ltmp1, $4  }
0x26: {  	[hbm:s5], [sflag:s18] =	dma.local [spmem:s19], $0x2780  }
0x27: {  	_ =	swait.ge [sflag:s20], $0x2780  }
0x28: {  	[sflag:s20] =	ssyncset.done $0x0  }
0x29: {  	[sflag:s20] =	ssyncadd.s32 $0xFFFFD880  }
.LBB2_1:
0x2a: {  	[spmem:s19], [sflag:s18] =	dma.local [hbm:s8], $0x2780  }
.Ltmp2:
0x2b: {  	_ =	swait.ge [sflag:s20], $0x2780;
	(pc) =	sbr.rel @!p0 .LBB2_2-.Ltmp2, $4  }
0x2c: {  	[sflag:s20] =	ssyncset.done $0x0  }
0x2d: {  	[sflag:s20] =	ssyncadd.s32 $0xFFFFD880  }
0x2e: {  	[bflag:$0x0] =	sbarrier.arrive $0xFFFF  }
0x2f: {  	s5 =	simm.s32 $0x0  }
0x30: {  	[tilespmem:s21], [sflag:$0x5] =	stream.linear.gather [hbm4b:s14+s5], $0x1400, $0x38;
	[tilespmem:$0x1E400] =	vst v63  }
0x31: {  	_ =	swait.ge [sflag:s20], $0x1400  }
0x32: {  	[sflag:s20] =	ssyncset.done $0x0  }
0x33: {  	[sflag:s20] =	ssyncadd.s32 $0xFFFFEC00  }
0x34: {  	[tilespmem:s22], [sflag:$0x5] =	stream.linear.gather [hbm4b:s15+s5], $0x1400, $0x38;
	[tilespmem:$0x1E400] =	vst v63  }
0x35: {  	_ =	swait.ge [sflag:s20], $0x1400  }
0x36: {  	[sflag:s20] =	ssyncset.done $0x0  }
0x37: {  	[sflag:s20] =	ssyncadd.s32 $0xFFFFEC00  }
0x38: {  	[tilespmem:s24], [sflag:$0x1] =	stream.indirect.gather [hbm4b:s4+s23], $0x80, s21, s23, $0xb8;
	[tilespmem:$0x1E400] =	vst v63  }
0x39: {  	_ = 	snop  }
0x3a: {  	[tilespmem:s26], [sflag:$0x2] =	stream.indirect.gather [hbm4b:s4+s23], $0x80, s25, s23, $0xb8;
	[tilespmem:$0x1E400] =	vst v63  }
0x3b: {  	_ =	swait.ge [sflag:s28], $0x4000  }
0x3c: {  	[sflag:s28] =	ssyncset.done $0x0  }
0x3d: {  	s10 =	simm.s32 $0x15000;
	[sflag:s28] =	ssyncadd.s32 $0xFFFFC000  }
0x3e: {  	[spmem:s1] =	stream.indirect.scatter.add.f32 [tilespmem:s24], [sflag:$0x3], $0x80, s10, s23, $0xb8;
	[tilespmem:$0x1E400] =	vst v63  }
0x3f: {  	_ =	swait.ge [sflag:s29], $0x4000  }
0x40: {  	[sflag:s29] =	ssyncset.done $0x0  }
0x41: {  	s6 =	simm.s32 $0x13D00;
	[sflag:s29] =	ssyncadd.s32 $0xFFFFC000  }
0x42: {  	[tilespmem:s24], [sflag:$0x1] =	stream.indirect.gather [hbm4b:s4+s23], $0x80, s6, s23, $0xb8;
	[tilespmem:$0x1E400] =	vst v63  }
0x43: {  	_ =	swait.ge [sflag:s30], $0x4000  }
0x44: {  	[sflag:s30] =	ssyncset.done $0x0  }
0x45: {  	s10 =	simm.s32 $0x15080;
	[sflag:s30] =	ssyncadd.s32 $0xFFFFC000  }
0x46: {  	[spmem:s1] =	stream.indirect.scatter.add.f32 [tilespmem:s26], [sflag:$0x4], $0x80, s10, s23, $0xb8;
	[tilespmem:$0x1E400] =	vst v63  }
0x47: {  	_ =	swait.ge [sflag:s31], $0x4000  }
0x48: {  	[sflag:s31] =	ssyncset.done $0x0  }
0x49: {  	s5 =	simm.s32 $0x400;
	s6 =	simm.s32 $0x13D80;
	[sflag:s31] =	ssyncadd.s32 $0xFFFFC000  }
.LBB2_8:
0x4a: {  	[tilespmem:s26], [sflag:$0x2] =	stream.indirect.gather [hbm4b:s4+s23], $0x80, s6, s23, $0xb8;
	[tilespmem:$0x1E400] =	vst v63  }
0x4b: {  	s6 =	smov.u32 s5  }
0x4c: {  	p1 =	sne.s32 s5, $0x4800;
	s5 =	sadd.s32 $0x400, s5;
	_ =	swait.ge [sflag:s28], $0x4000  }
0x4d: {  	s6 =	sshra.s32 s6, $0x2;
	[sflag:s28] =	ssyncset.done $0x0  }
0x4e: {  	s10 =	sadd.s32 $0x15000, s6;
	[sflag:s28] =	ssyncadd.s32 $0xFFFFC000  }
0x4f: {  	[spmem:s1] =	stream.indirect.scatter.add.f32 [tilespmem:s24], [sflag:$0x3], $0x80, s10, s23, $0xb8;
	[tilespmem:$0x1E400] =	vst v63  }
0x50: {  	_ =	swait.ge [sflag:s29], $0x4000  }
0x51: {  	[sflag:s29] =	ssyncset.done $0x0  }
0x52: {  	s10 =	sadd.s32 $0x13D00, s6;
	[sflag:s29] =	ssyncadd.s32 $0xFFFFC000  }
0x53: {  	[tilespmem:s24], [sflag:$0x1] =	stream.indirect.gather [hbm4b:s4+s23], $0x80, s10, s23, $0xb8;
	[tilespmem:$0x1E400] =	vst v63  }
0x54: {  	_ =	swait.ge [sflag:s30], $0x4000  }
0x55: {  	[sflag:s30] =	ssyncset.done $0x0  }
.Ltmp3:
0x56: {  	s10 =	sadd.s32 $0x15080, s6;
	[sflag:s30] =	ssyncadd.s32 $0xFFFFC000;
	(pc) =	sbr.rel @p1 .LBB2_8-.Ltmp3, $4  }
0x57: {  	[spmem:s1] =	stream.indirect.scatter.add.f32 [tilespmem:s26], [sflag:$0x4], $0x80, s10, s23, $0xb8;
	[tilespmem:$0x1E400] =	vst v63  }
0x58: {  	_ =	swait.ge [sflag:s31], $0x4000  }
0x59: {  	[sflag:s31] =	ssyncset.done $0x0  }
0x5a: {  	s6 =	sadd.s32 $0x13D80, s6;
	[sflag:s31] =	ssyncadd.s32 $0xFFFFC000  }
0x5b: {  	[tilespmem:s26], [sflag:$0x2] =	stream.indirect.gather [hbm4b:s4+s23], $0x80, s6, s23, $0xb8;
	[tilespmem:$0x1E400] =	vst v63  }
0x5c: {  	_ =	swait.ge [sflag:s28], $0x4000  }
0x5d: {  	[sflag:s28] =	ssyncset.done $0x0  }
0x5e: {  	[sflag:s28] =	ssyncadd.s32 $0xFFFFC000  }
0x5f: {  	[spmem:s1] =	stream.indirect.scatter.add.f32 [tilespmem:s24], [sflag:$0x3], $0x80, s0, s23, $0xb8;
	[tilespmem:$0x1E400] =	vst v63  }
0x60: {  	_ =	swait.ge [sflag:s30], $0x4000  }
0x61: {  	[sflag:s30] =	ssyncset.done $0x0  }
0x62: {  	[sflag:s30] =	ssyncadd.s32 $0xFFFFC000  }
0x63: {  	[spmem:s1] =	stream.indirect.scatter.add.f32 [tilespmem:s26], [sflag:$0x4], $0x80, s3, s23, $0xb8;
	[tilespmem:$0x1E400] =	vst v63  }
0x64: {  	_ =	swait.ge [sflag:s29], $0x4000  }
0x65: {  	[sflag:s29] =	ssyncset.done $0x0  }
0x66: {  	[sflag:s29] =	ssyncadd.s32 $0xFFFFC000  }
0x67: {  	_ =	swait.ge [sflag:s31], $0x4000  }
0x68: {  	[sflag:s31] =	ssyncset.done $0x0  }
0x69: {  	s5 =	simm.s32 $0x0;
	[sflag:s31] =	ssyncadd.s32 $0xFFFFC000  }
0x6a: {  	[tilespmem:s21], [sflag:$0x5] =	stream.linear.gather [hbm4b:s16+s5], $0x1400, $0x38;
	[tilespmem:$0x1E400] =	vst v63  }
0x6b: {  	_ =	swait.ge [sflag:s20], $0x1400  }
0x6c: {  	[sflag:s20] =	ssyncset.done $0x0  }
0x6d: {  	[sflag:s20] =	ssyncadd.s32 $0xFFFFEC00  }
0x6e: {  	[tilespmem:s22], [sflag:$0x5] =	stream.linear.gather [hbm4b:s17+s5], $0x1400, $0x38;
	[tilespmem:$0x1E400] =	vst v63  }
0x6f: {  	_ =	swait.ge [sflag:s20], $0x1400  }
0x70: {  	[sflag:s20] =	ssyncset.done $0x0  }
0x71: {  	[sflag:s20] =	ssyncadd.s32 $0xFFFFEC00  }
0x72: {  	[tilespmem:s24], [sflag:$0x1] =	stream.indirect.gather [hbm4b:s4+s23], $0x80, s21, s23, $0xb8;
	[tilespmem:$0x1E400] =	vst v63  }
0x73: {  	_ = 	snop  }
0x74: {  	[tilespmem:s26], [sflag:$0x2] =	stream.indirect.gather [hbm4b:s4+s23], $0x80, s25, s23, $0xb8;
	[tilespmem:$0x1E400] =	vst v63  }
0x75: {  	_ =	swait.ge [sflag:s28], $0x4000  }
0x76: {  	[sflag:s28] =	ssyncset.done $0x0  }
0x77: {  	s10 =	simm.s32 $0x15000;
	[sflag:s28] =	ssyncadd.s32 $0xFFFFC000  }
0x78: {  	[spmem:s1] =	stream.indirect.scatter.add.f32 [tilespmem:s24], [sflag:$0x3], $0x80, s10, s23, $0xb8;
	[tilespmem:$0x1E400] =	vst v63  }
0x79: {  	_ =	swait.ge [sflag:s29], $0x4000  }
0x7a: {  	[sflag:s29] =	ssyncset.done $0x0  }
0x7b: {  	s6 =	simm.s32 $0x13D00;
	[sflag:s29] =	ssyncadd.s32 $0xFFFFC000  }
0x7c: {  	[tilespmem:s24], [sflag:$0x1] =	stream.indirect.gather [hbm4b:s4+s23], $0x80, s6, s23, $0xb8;
	[tilespmem:$0x1E400] =	vst v63  }
0x7d: {  	_ =	swait.ge [sflag:s30], $0x4000  }
0x7e: {  	[sflag:s30] =	ssyncset.done $0x0  }
0x7f: {  	s10 =	simm.s32 $0x15080;
	[sflag:s30] =	ssyncadd.s32 $0xFFFFC000  }
0x80: {  	[spmem:s1] =	stream.indirect.scatter.add.f32 [tilespmem:s26], [sflag:$0x4], $0x80, s10, s23, $0xb8;
	[tilespmem:$0x1E400] =	vst v63  }
0x81: {  	_ =	swait.ge [sflag:s31], $0x4000  }
0x82: {  	[sflag:s31] =	ssyncset.done $0x0  }
0x83: {  	s5 =	simm.s32 $0x400;
	s6 =	simm.s32 $0x13D80;
	[sflag:s31] =	ssyncadd.s32 $0xFFFFC000  }
.LBB2_10:
0x84: {  	[tilespmem:s26], [sflag:$0x2] =	stream.indirect.gather [hbm4b:s4+s23], $0x80, s6, s23, $0xb8;
	[tilespmem:$0x1E400] =	vst v63  }
0x85: {  	s6 =	smov.u32 s5  }
0x86: {  	p1 =	sne.s32 s5, $0x4800;
	s5 =	sadd.s32 $0x400, s5;
	_ =	swait.ge [sflag:s28], $0x4000  }
0x87: {  	s6 =	sshra.s32 s6, $0x2;
	[sflag:s28] =	ssyncset.done $0x0  }
0x88: {  	s10 =	sadd.s32 $0x15000, s6;
	[sflag:s28] =	ssyncadd.s32 $0xFFFFC000  }
0x89: {  	[spmem:s1] =	stream.indirect.scatter.add.f32 [tilespmem:s24], [sflag:$0x3], $0x80, s10, s23, $0xb8;
	[tilespmem:$0x1E400] =	vst v63  }
0x8a: {  	_ =	swait.ge [sflag:s29], $0x4000  }
0x8b: {  	[sflag:s29] =	ssyncset.done $0x0  }
0x8c: {  	s10 =	sadd.s32 $0x13D00, s6;
	[sflag:s29] =	ssyncadd.s32 $0xFFFFC000  }
0x8d: {  	[tilespmem:s24], [sflag:$0x1] =	stream.indirect.gather [hbm4b:s4+s23], $0x80, s10, s23, $0xb8;
	[tilespmem:$0x1E400] =	vst v63  }
0x8e: {  	_ =	swait.ge [sflag:s30], $0x4000  }
0x8f: {  	[sflag:s30] =	ssyncset.done $0x0  }
.Ltmp4:
0x90: {  	s10 =	sadd.s32 $0x15080, s6;
	[sflag:s30] =	ssyncadd.s32 $0xFFFFC000;
	(pc) =	sbr.rel @p1 .LBB2_10-.Ltmp4, $4  }
0x91: {  	[spmem:s1] =	stream.indirect.scatter.add.f32 [tilespmem:s26], [sflag:$0x4], $0x80, s10, s23, $0xb8;
	[tilespmem:$0x1E400] =	vst v63  }
0x92: {  	_ =	swait.ge [sflag:s31], $0x4000  }
0x93: {  	[sflag:s31] =	ssyncset.done $0x0  }
0x94: {  	s6 =	sadd.s32 $0x13D80, s6;
	[sflag:s31] =	ssyncadd.s32 $0xFFFFC000  }
.Ltmp5:
0x95: {  	_ = 	snop;
	(pc) =	sbr.rel .LBB2_11-.Ltmp5, $1  }
0x96: {  	_ =	sdelay $0x3  }
.LBB2_2:
0x97: {  	s6 =	rddreg [dreg:$0x6]  }
0x98: {  	[tilespmem:s21], [sflag:$0x5] =	stream.linear.gather [hbm4b:s6+s5], $0x1400, $0x38;
	[tilespmem:$0x1E400] =	vst v63  }
0x99: {  	_ =	swait.ge [sflag:s20], $0x1400  }
0x9a: {  	[sflag:s20] =	ssyncset.done $0x0  }
0x9b: {  	[sflag:s20] =	ssyncadd.s32 $0xFFFFEC00  }
0x9c: {  	[tilespmem:s22], [sflag:$0x5] =	stream.linear.gather [hbm4b:s11+s5], $0x1400, $0x38;
	[tilespmem:$0x1E400] =	vst v63  }
0x9d: {  	_ =	swait.ge [sflag:s20], $0x1400  }
0x9e: {  	[sflag:s20] =	ssyncset.done $0x0  }
0x9f: {  	[sflag:s20] =	ssyncadd.s32 $0xFFFFEC00  }
0xa0: {  	[tilespmem:s24], [sflag:$0x1] =	stream.indirect.gather [hbm4b:s4+s23], $0x80, s21, s23, $0xb8;
	[tilespmem:$0x1E400] =	vst v63  }
0xa1: {  	_ = 	snop  }
0xa2: {  	[tilespmem:s26], [sflag:$0x2] =	stream.indirect.gather [hbm4b:s4+s23], $0x80, s25, s23, $0xb8;
	[tilespmem:$0x1E400] =	vst v63  }
0xa3: {  	_ =	swait.ge [sflag:s28], $0x4000  }
0xa4: {  	[sflag:s28] =	ssyncset.done $0x0  }
0xa5: {  	s10 =	simm.s32 $0x15000;
	[sflag:s28] =	ssyncadd.s32 $0xFFFFC000  }
0xa6: {  	[spmem:s1] =	stream.indirect.scatter.add.f32 [tilespmem:s24], [sflag:$0x3], $0x80, s10, s23, $0xb8;
	[tilespmem:$0x1E400] =	vst v63  }
0xa7: {  	_ =	swait.ge [sflag:s29], $0x4000  }
0xa8: {  	[sflag:s29] =	ssyncset.done $0x0  }
0xa9: {  	s6 =	simm.s32 $0x13D00;
	[sflag:s29] =	ssyncadd.s32 $0xFFFFC000  }
0xaa: {  	[tilespmem:s24], [sflag:$0x1] =	stream.indirect.gather [hbm4b:s4+s23], $0x80, s6, s23, $0xb8;
	[tilespmem:$0x1E400] =	vst v63  }
0xab: {  	_ =	swait.ge [sflag:s30], $0x4000  }
0xac: {  	[sflag:s30] =	ssyncset.done $0x0  }
0xad: {  	s10 =	simm.s32 $0x15080;
	[sflag:s30] =	ssyncadd.s32 $0xFFFFC000  }
0xae: {  	[spmem:s1] =	stream.indirect.scatter.add.f32 [tilespmem:s26], [sflag:$0x4], $0x80, s10, s23, $0xb8;
	[tilespmem:$0x1E400] =	vst v63  }
0xaf: {  	_ =	swait.ge [sflag:s31], $0x4000  }
0xb0: {  	[sflag:s31] =	ssyncset.done $0x0  }
0xb1: {  	s5 =	simm.s32 $0x400;
	s6 =	simm.s32 $0x13D80;
	[sflag:s31] =	ssyncadd.s32 $0xFFFFC000  }
.LBB2_3:
0xb2: {  	[tilespmem:s26], [sflag:$0x2] =	stream.indirect.gather [hbm4b:s4+s23], $0x80, s6, s23, $0xb8;
	[tilespmem:$0x1E400] =	vst v63  }
0xb3: {  	s6 =	smov.u32 s5  }
0xb4: {  	p1 =	sne.s32 s5, $0x4800;
	s5 =	sadd.s32 $0x400, s5;
	_ =	swait.ge [sflag:s28], $0x4000  }
0xb5: {  	s6 =	sshra.s32 s6, $0x2;
	[sflag:s28] =	ssyncset.done $0x0  }
0xb6: {  	s10 =	sadd.s32 $0x15000, s6;
	[sflag:s28] =	ssyncadd.s32 $0xFFFFC000  }
0xb7: {  	[spmem:s1] =	stream.indirect.scatter.add.f32 [tilespmem:s24], [sflag:$0x3], $0x80, s10, s23, $0xb8;
	[tilespmem:$0x1E400] =	vst v63  }
0xb8: {  	_ =	swait.ge [sflag:s29], $0x4000  }
0xb9: {  	[sflag:s29] =	ssyncset.done $0x0  }
0xba: {  	s10 =	sadd.s32 $0x13D00, s6;
	[sflag:s29] =	ssyncadd.s32 $0xFFFFC000  }
0xbb: {  	[tilespmem:s24], [sflag:$0x1] =	stream.indirect.gather [hbm4b:s4+s23], $0x80, s10, s23, $0xb8;
	[tilespmem:$0x1E400] =	vst v63  }
0xbc: {  	_ =	swait.ge [sflag:s30], $0x4000  }
0xbd: {  	[sflag:s30] =	ssyncset.done $0x0  }
.Ltmp6:
0xbe: {  	s10 =	sadd.s32 $0x15080, s6;
	[sflag:s30] =	ssyncadd.s32 $0xFFFFC000;
	(pc) =	sbr.rel @p1 .LBB2_3-.Ltmp6, $4  }
0xbf: {  	[spmem:s1] =	stream.indirect.scatter.add.f32 [tilespmem:s26], [sflag:$0x4], $0x80, s10, s23, $0xb8;
	[tilespmem:$0x1E400] =	vst v63  }
0xc0: {  	_ =	swait.ge [sflag:s31], $0x4000  }
0xc1: {  	[sflag:s31] =	ssyncset.done $0x0  }
0xc2: {  	s6 =	sadd.s32 $0x13D80, s6;
	[sflag:s31] =	ssyncadd.s32 $0xFFFFC000  }
0xc3: {  	[tilespmem:s26], [sflag:$0x2] =	stream.indirect.gather [hbm4b:s4+s23], $0x80, s6, s23, $0xb8;
	[tilespmem:$0x1E400] =	vst v63  }
0xc4: {  	_ =	swait.ge [sflag:s28], $0x4000  }
0xc5: {  	[sflag:s28] =	ssyncset.done $0x0  }
0xc6: {  	[sflag:s28] =	ssyncadd.s32 $0xFFFFC000  }
0xc7: {  	[spmem:s1] =	stream.indirect.scatter.add.f32 [tilespmem:s24], [sflag:$0x3], $0x80, s0, s23, $0xb8;
	[tilespmem:$0x1E400] =	vst v63  }
0xc8: {  	_ =	swait.ge [sflag:s30], $0x4000  }
0xc9: {  	[sflag:s30] =	ssyncset.done $0x0  }
0xca: {  	[sflag:s30] =	ssyncadd.s32 $0xFFFFC000  }
0xcb: {  	[spmem:s1] =	stream.indirect.scatter.add.f32 [tilespmem:s26], [sflag:$0x4], $0x80, s3, s23, $0xb8;
	[tilespmem:$0x1E400] =	vst v63  }
0xcc: {  	_ =	swait.ge [sflag:s29], $0x4000  }
0xcd: {  	[sflag:s29] =	ssyncset.done $0x0  }
0xce: {  	[sflag:s29] =	ssyncadd.s32 $0xFFFFC000  }
0xcf: {  	_ =	swait.ge [sflag:s31], $0x4000  }
0xd0: {  	[sflag:s31] =	ssyncset.done $0x0  }
0xd1: {  	s5 =	simm.s32 $0x0;
	[sflag:s31] =	ssyncadd.s32 $0xFFFFC000  }
0xd2: {  	[tilespmem:s21], [sflag:$0x5] =	stream.linear.gather [hbm4b:s12+s5], $0x1400, $0x38;
	[tilespmem:$0x1E400] =	vst v63  }
0xd3: {  	_ =	swait.ge [sflag:s20], $0x1400  }
0xd4: {  	[sflag:s20] =	ssyncset.done $0x0  }
0xd5: {  	[sflag:s20] =	ssyncadd.s32 $0xFFFFEC00  }
0xd6: {  	[tilespmem:s22], [sflag:$0x5] =	stream.linear.gather [hbm4b:s13+s5], $0x1400, $0x38;
	[tilespmem:$0x1E400] =	vst v63  }
0xd7: {  	_ =	swait.ge [sflag:s20], $0x1400  }
0xd8: {  	[sflag:s20] =	ssyncset.done $0x0  }
0xd9: {  	[sflag:s20] =	ssyncadd.s32 $0xFFFFEC00  }
0xda: {  	[tilespmem:s24], [sflag:$0x1] =	stream.indirect.gather [hbm4b:s4+s23], $0x80, s21, s23, $0xb8;
	[tilespmem:$0x1E400] =	vst v63  }
0xdb: {  	_ = 	snop  }
0xdc: {  	[tilespmem:s26], [sflag:$0x2] =	stream.indirect.gather [hbm4b:s4+s23], $0x80, s25, s23, $0xb8;
	[tilespmem:$0x1E400] =	vst v63  }
0xdd: {  	_ =	swait.ge [sflag:s28], $0x4000  }
0xde: {  	[sflag:s28] =	ssyncset.done $0x0  }
0xdf: {  	s10 =	simm.s32 $0x15000;
	[sflag:s28] =	ssyncadd.s32 $0xFFFFC000  }
0xe0: {  	[spmem:s1] =	stream.indirect.scatter.add.f32 [tilespmem:s24], [sflag:$0x3], $0x80, s10, s23, $0xb8;
	[tilespmem:$0x1E400] =	vst v63  }
0xe1: {  	_ =	swait.ge [sflag:s29], $0x4000  }
0xe2: {  	[sflag:s29] =	ssyncset.done $0x0  }
0xe3: {  	s6 =	simm.s32 $0x13D00;
	[sflag:s29] =	ssyncadd.s32 $0xFFFFC000  }
0xe4: {  	[tilespmem:s24], [sflag:$0x1] =	stream.indirect.gather [hbm4b:s4+s23], $0x80, s6, s23, $0xb8;
	[tilespmem:$0x1E400] =	vst v63  }
0xe5: {  	_ =	swait.ge [sflag:s30], $0x4000  }
0xe6: {  	[sflag:s30] =	ssyncset.done $0x0  }
0xe7: {  	s10 =	simm.s32 $0x15080;
	[sflag:s30] =	ssyncadd.s32 $0xFFFFC000  }
0xe8: {  	[spmem:s1] =	stream.indirect.scatter.add.f32 [tilespmem:s26], [sflag:$0x4], $0x80, s10, s23, $0xb8;
	[tilespmem:$0x1E400] =	vst v63  }
0xe9: {  	_ =	swait.ge [sflag:s31], $0x4000  }
0xea: {  	[sflag:s31] =	ssyncset.done $0x0  }
0xeb: {  	s5 =	simm.s32 $0x400;
	s6 =	simm.s32 $0x13D80;
	[sflag:s31] =	ssyncadd.s32 $0xFFFFC000  }
.LBB2_5:
0xec: {  	[tilespmem:s26], [sflag:$0x2] =	stream.indirect.gather [hbm4b:s4+s23], $0x80, s6, s23, $0xb8;
	[tilespmem:$0x1E400] =	vst v63  }
0xed: {  	s6 =	smov.u32 s5  }
0xee: {  	p1 =	seq.s32 s5, $0x4800;
	s5 =	sadd.s32 $0x400, s5;
	_ =	swait.ge [sflag:s28], $0x4000  }
0xef: {  	s6 =	sshra.s32 s6, $0x2;
	[sflag:s28] =	ssyncset.done $0x0  }
0xf0: {  	s10 =	sadd.s32 $0x15000, s6;
	[sflag:s28] =	ssyncadd.s32 $0xFFFFC000  }
0xf1: {  	[spmem:s1] =	stream.indirect.scatter.add.f32 [tilespmem:s24], [sflag:$0x3], $0x80, s10, s23, $0xb8;
	[tilespmem:$0x1E400] =	vst v63  }
0xf2: {  	_ =	swait.ge [sflag:s29], $0x4000  }
0xf3: {  	[sflag:s29] =	ssyncset.done $0x0  }
0xf4: {  	s10 =	sadd.s32 $0x13D00, s6;
	[sflag:s29] =	ssyncadd.s32 $0xFFFFC000  }
0xf5: {  	[tilespmem:s24], [sflag:$0x1] =	stream.indirect.gather [hbm4b:s4+s23], $0x80, s10, s23, $0xb8;
	[tilespmem:$0x1E400] =	vst v63  }
0xf6: {  	_ =	swait.ge [sflag:s30], $0x4000  }
0xf7: {  	[sflag:s30] =	ssyncset.done $0x0  }
.Ltmp7:
0xf8: {  	s10 =	sadd.s32 $0x15080, s6;
	[sflag:s30] =	ssyncadd.s32 $0xFFFFC000;
	(pc) =	sbr.rel @!p1 .LBB2_5-.Ltmp7, $4  }
0xf9: {  	[spmem:s1] =	stream.indirect.scatter.add.f32 [tilespmem:s26], [sflag:$0x4], $0x80, s10, s23, $0xb8;
	[tilespmem:$0x1E400] =	vst v63  }
0xfa: {  	_ =	swait.ge [sflag:s31], $0x4000  }
0xfb: {  	[sflag:s31] =	ssyncset.done $0x0  }
0xfc: {  	s6 =	sadd.s32 $0x13D80, s6;
	[sflag:s31] =	ssyncadd.s32 $0xFFFFC000  }
.Ltmp8:
0xfd: {  	(pc) =	sbr.rel .LBB2_12-.Ltmp8, $3  }
0xfe: {  	_ =	sdelay $0x1  }
0xff: {  	[tilespmem:s26], [sflag:$0x2] =	stream.indirect.gather [hbm4b:s4+s23], $0x80, s6, s23, $0xb8;
	[tilespmem:$0x1E400] =	vst v63  }
0x100: {  	s5 =	rddreg [dreg:$0x4]  }
.LBB2_13:
0x101: {  	_ =	sfence.sel $0x180000  }
0x102: {  	[bflag:$0x0] =	sbarrier.arrive $0xFFFF  }
0x103: {  	_ =	strace $0x90000047  }
0x104: {  	s0 =	stileid.u32;
	[bflag:$0x2] =	sbarrier.arrive $0xFFFF  }
0x105: {  	p0 =	sne.s32 s0, $0x0;
	s0 =	rddreg [dreg:$0x3]  }
0x106: {  	s0 =	sadd.s32 @!p0 $0x100000, s0  }
0x107: {  	[sflag:s0] =	ssyncadd.tile.s32 @!p0 $0x1;
	_ =	shalt  }
.Lfunc_end2:
_tile_overlayer_lowered:
.L_overlay_start_2:
0x108: {  	(tag) =	ssettag $0x2  }
0x109: {  	s0 =	rddreg [dreg:$0x0];
	s2 =	stileid.u32  }
0x10a: {  	s1 =	rddreg [dreg:$0x1];
	p0 =	sne.s32 s2, $0x0  }
0x10b: {  	s3 =	rddreg [dreg:$0x2];
	[bflag:$0x3] =	sbarrier.arrive $0xFFFF;
	s2 =	simm.s32 @!p0 $0x1C05  }
0x10c: {  	[timem:s3], [sflag:s2] =	dma.local @!p0 [hbm:s0], s1  }
0x10d: {  	s0 =	simm.s32 @!p0 $0x5  }
0x10e: {  	_ =	swait.ge @!p0 [sflag:s0], s1  }
0x10f: {  	s1 =	ssub.s32 @!p0 $0x0, s1;
	[sflag:s0] =	ssyncset.done @!p0 $0x0  }
0x110: {  	[sflag:s0] =	ssyncadd.s32 @!p0 s1  }
0x111: {  	[bflag:$0x3] =	sbarrier.arrive $0xFFFF  }
0x112: {  	_ =	shalt  }

// kernel: kernel.9.cloned.1.call-start
scs
__scs_entry_jumppad:
0x0: {  	(pc) =	sbr.rel $0x88, $3  }
0x1: {  	(tag) =	ssettag $0x0;
	lr =	simm.s32 $0x1  }
0x2: {  	[smem:$0x3F97] =	sst lr;
	_ =	strace $0xD0000000  }
0x3: {  	_ = 	snop  }
0x4: {  	_ = 	snop  }
0x5: {  	_ = 	snop  }
0x6: {  	_ = 	snop  }
0x7: {  	_ = 	snop  }
__scs_overlays_trampoline_lowered:
0x8: {  	[smem:$0x3FA6] =	sst s0  }
0x9: {  	[smem:$0x3FA7] =	sst s1  }
0xa: {  	[smem:$0x3FA8] =	sst s2  }
0xb: {  	[smem:$0x3FA9] =	sst s3  }
0xc: {  	[smem:$0x3FAA] =	sst s4  }
0xd: {  	[smem:$0x3FAB] =	sst s5  }
0xe: {  	[smem:$0x3FAC] =	sst s6  }
0xf: {  	[smem:$0x3FAD] =	sst s7  }
0x10: {  	[smem:$0x3FAE] =	sst s8  }
0x11: {  	[smem:$0x3FAF] =	sst s9;
	s0 =	simm.s32 @!p0 $0x0  }
0x12: {  	s1 =	sld [smem:$0x3F95];
	s0 =	simm.s32 @p0 $0x1  }
0x13: {  	[smem:$0x3FB0] =	sst s0;
	s0 =	simm.s32 @!p1 $0x0  }
0x14: {  	s2 =	sld [smem:$0x3F94];
	s0 =	simm.s32 @p1 $0x1  }
0x15: {  	[smem:$0x3FB1] =	sst s0;
	s0 =	simm.s32 @!p2 $0x0  }
0x16: {  	s3 =	sld [smem:$0x3FDB];
	s0 =	simm.s32 @p2 $0x1  }
0x17: {  	s4 =	simm.s32 $0x1BF5;
	[smem:$0x3FB3] =	sst s0  }
0x18: {  	s0 =	sld [smem:$0x3F96];
	_ =	swait.ge [sflag:s4], $0x0  }
0x19: {  	s7 =	sld [smem:$0x3F97]  }
0x1a: {  	s8 =	sadd.s32 $0xFFFFE003, lr  }
0x1b: {  	s9 =	sadd.s32 $0xFFFFFEF7, lr;
	s5 =	simm.s32 $0xFFFFFFFF;
	p2 =	slt.u32 s8, $0xFFFFF086  }
0x1c: {  	p1 =	slt.u32 s9, $0xF7A;
	s5 =	simm.s32 @!p2 $0x0  }
0x1d: {  	s5 =	simm.s32 @p1 $0x1;
	p0 =	seq.s32 s7, s2  }
0x1e: {  	s7 =	smul.u32 @!p0 $0xF7A, s2;
	p2 =	seq.s32 @!p0 s5, $0x0  }
0x1f: {  	s9 =	smul.u32 $0xF7A, s1;
	s8 =	simm.s32 @!p0 $0x1BF5;
	p2 =	por !p2, p0  }
0x20: {  	[sflag:s8] =	ssyncset.s32 @!p0 $0xFFFFF086;
	s6 =	sadd.s32 @!p0 s3, s7;
	s7 =	simm.s32 @!p0 $0x108  }
0x21: {  	s3 =	sadd.s32 s3, s9;
	s6 =	sadd.s32 @!p0 $0x88, s6;
	s7 =	simm.s32 @p2 $0x1082  }
0x22: {  	[simem:s7], [sflag:s8] =	dma.local @!p0 [hbm:s6], $0xF7A  }
0x23: {  	s9 =	sor.u32 $0xD0000000, s2;
	s6 =	simm.s32 $0x108;
	_ =	swait.ge @!p0 [sflag:s8], $0x0  }
0x24: {  	s3 =	sadd.s32 $0x88, s3;
	s6 =	simm.s32 @!p1 $0x1082;
	[sflag:s4] =	ssyncset.s32 $0xFFFFF086  }
0x25: {  	[simem:s6], [sflag:s4] =	dma.local [hbm:s3], $0xF7A  }
0x26: {  	[smem:$0x3F97] =	sst s1;
	(tag) =	ssettag s2;
	_ =	strace s9  }
0x27: {  	s1 =	sld [smem:$0x3FA7]  }
0x28: {  	s2 =	sld [smem:$0x3FA8]  }
0x29: {  	s4 =	sld [smem:$0x3FAA]  }
0x2a: {  	p0 =	seq.s32 s5, $0x0;
	s5 =	sld [smem:$0x3FAB]  }
0x2b: {  	s6 =	sld [smem:$0x3FAC]  }
0x2c: {  	s7 =	sld [smem:$0x3FAD]  }
0x2d: {  	s3 =	simm.s32 $0x108;
	s8 =	sld [smem:$0x3FAE]  }
0x2e: {  	s3 =	simm.s32 @!p0 $0x1082;
	s9 =	sld [smem:$0x3FAF]  }
0x2f: {  	lr =	sadd.s32 s0, s3;
	s0 =	sld [smem:$0x3FA6]  }
0x30: {  	s3 =	sld [smem:$0x3FA9]  }
0x31: {  	[smem:$0x3FB2] =	sst s10  }
0x32: {  	s10 =	sld [smem:$0x3FB0];
	_ =	sdelay $0x3  }
0x33: {  	p0 =	seq.s32 s10, $0x1;
	s10 =	sld [smem:$0x3FB2];
	_ =	sdelay $0x3  }
0x34: {  	[smem:$0x3FB2] =	sst s10  }
0x35: {  	s10 =	sld [smem:$0x3FB1];
	_ =	sdelay $0x3  }
0x36: {  	p1 =	seq.s32 s10, $0x1;
	s10 =	sld [smem:$0x3FB2];
	_ =	sdelay $0x3  }
0x37: {  	[smem:$0x3FB2] =	sst s10  }
0x38: {  	s10 =	sld [smem:$0x3FB3]  }
0x39: {  	_ = 	snop;
	(pc) =	sbr.ind lr, $3  }
0x3a: {  	_ = 	snop  }
0x3b: {  	_ = 	snop  }
0x3c: {  	p2 =	seq.s32 s10, $0x1;
	s10 =	sld [smem:$0x3FB2]  }
0x3d: {  	_ =	shalt  }
0x3e: {  	_ =	shalt  }
0x3f: {  	_ =	shalt  }
0x40: {  	_ =	shalt  }
0x41: {  	_ =	shalt  }
0x42: {  	_ =	shalt  }
0x43: {  	_ =	shalt  }
0x44: {  	_ =	shalt  }
0x45: {  	_ =	shalt  }
0x46: {  	_ =	shalt  }
0x47: {  	_ =	shalt  }
0x48: {  	_ =	shalt  }
0x49: {  	_ =	shalt  }
0x4a: {  	_ =	shalt  }
0x4b: {  	_ =	shalt  }
0x4c: {  	_ =	shalt  }
0x4d: {  	_ =	shalt  }
0x4e: {  	_ =	shalt  }
0x4f: {  	_ =	shalt  }
0x50: {  	_ =	shalt  }
0x51: {  	_ =	shalt  }
0x52: {  	_ =	shalt  }
0x53: {  	_ =	shalt  }
0x54: {  	_ =	shalt  }
0x55: {  	_ =	shalt  }
0x56: {  	_ =	shalt  }
0x57: {  	_ =	shalt  }
0x58: {  	_ =	shalt  }
0x59: {  	_ =	shalt  }
0x5a: {  	_ =	shalt  }
0x5b: {  	_ =	shalt  }
0x5c: {  	_ =	shalt  }
0x5d: {  	_ =	shalt  }
0x5e: {  	_ =	shalt  }
0x5f: {  	_ =	shalt  }
0x60: {  	_ =	shalt  }
0x61: {  	_ =	shalt  }
0x62: {  	_ =	shalt  }
0x63: {  	_ =	shalt  }
0x64: {  	_ =	shalt  }
0x65: {  	_ =	shalt  }
0x66: {  	_ =	shalt  }
0x67: {  	_ =	shalt  }
0x68: {  	_ =	shalt  }
0x69: {  	_ =	shalt  }
0x6a: {  	_ =	shalt  }
0x6b: {  	_ =	shalt  }
0x6c: {  	_ =	shalt  }
0x6d: {  	_ =	shalt  }
0x6e: {  	_ =	shalt  }
0x6f: {  	_ =	shalt  }
0x70: {  	_ =	shalt  }
0x71: {  	_ =	shalt  }
0x72: {  	_ =	shalt  }
0x73: {  	_ =	shalt  }
0x74: {  	_ =	shalt  }
0x75: {  	_ =	shalt  }
0x76: {  	_ =	shalt  }
0x77: {  	_ =	shalt  }
0x78: {  	_ =	shalt  }
0x79: {  	_ =	shalt  }
0x7a: {  	_ =	shalt  }
0x7b: {  	_ =	shalt  }
0x7c: {  	_ =	shalt  }
0x7d: {  	_ =	shalt  }
0x7e: {  	_ =	shalt  }
0x7f: {  	_ =	shalt  }
0x80: {  	_ =	shalt  }
0x81: {  	_ =	shalt  }
0x82: {  	_ =	shalt  }
0x83: {  	_ =	shalt  }
0x84: {  	_ =	shalt  }
0x85: {  	_ =	shalt  }
0x86: {  	_ =	shalt  }
0x87: {  	_ =	shalt  }
.Lfunc_end0:
.L_simem_size_0:
called_computation.1_lowered:
.L_overlay_start_0:
0x88: {  	s2 =	sld [smem:$0x3FD9]  }
0x89: {  	s3 =	sld [smem:$0x3FFE];
	_ =	sdelay $0x1  }
0x8a: {  	s1 =	srdreg.scid  }
0x8b: {  	s0 =	sand.u32 $0x1, s1  }
0x8c: {  	s17 =	sshll.u32 s0, $0xA;
	s2 =	sadd.s32 s3, s2  }
0x8d: {  	s2 =	sadd.s32 s2, s17  }
0x8e: {  	[smem:$0x3FBE] =	sst s2  }
0x8f: {  	_ = 	snop  }
0x90: {  	s2 =	sld [smem:$0x3FD0];
	(tm) =	ssettm $0x1  }
0x91: {  	s18 =	sld [smem:$0x3FFB];
	_ =	sdelay $0x3  }
0x92: {  	_ =	strace s18  }
0x93: {  	s3 =	sld [smem:$0x3FFC];
	_ =	sdelay $0x3  }
0x94: {  	_ =	strace s3  }
0x95: {  	s3 =	sld [smem:$0x3FFD];
	_ =	sdelay $0x3  }
0x96: {  	_ =	strace s3  }
0x97: {  	_ =	strace $0x8FFFFFFF  }
0x98: {  	s19 =	sld [smem:$0x3FDB];
	_ =	sdelay $0x1  }
0x99: {  	s4 =	simm.s32 $_scs_section_size  }
0x9a: {  	s5 =	simm.s32 $_size__tile_overlayer_lowered;
	s6 =	simm.s32 $_tile_overlayer_lowered  }
0x9b: {  	s22 =	simm.s32 $0x1BFF;
	s21 =	sshll.u32 s6, $0x1;
	s3 =	sadd.s32 s4, s19  }
0x9c: {  	s7 =	simm.s32 $0x0;
	s20 =	sshll.u32 s5, $0x1;
	s5 =	sadd.s32 s21, s3  }
0x9d: {  	[timem:s7], [sflag:s22] =	dma.local [hbm:s5], s20  }
0x9e: {  	_ =	swait.ge [sflag:s22], s20  }
0x9f: {  	s4 =	ssub.s32 $0x0, s20;
	[sflag:s22] =	ssyncset.done $0x0  }
0xa0: {  	[sflag:s22] =	ssyncadd.s32 s4;
	_ =	sdelay $0x1  }
0xa1: {  	s23 =	simm.s32 $0x1B8B  }
0xa2: {  	_ =	swait.ge [sflag:s23], $0x1  }
0xa3: {  	[sflag:s23] =	ssyncset.done $0x0  }
0xa4: {  	s25 =	simm.s32 $0x1B8E;
	s24 =	sld [smem:$0x3FFE];
	[sflag:s23] =	ssyncadd.s32 $0xFFFFFFFF  }
0xa5: {  	s26 =	simm.s32 $execute0_lowered;
	[smem:$0x3FD2] =	sst s25  }
0xa6: {  	s5 =	sshll.u32 s26, $0x1;
	_ =	strace $0x80000049;
	[dreg:$0x1] =	wrdreg $0xFFFFFFFF  }
0xa7: {  	s28 =	simm.s32 $_size_execute0_lowered;
	s3 =	sadd.s32 s3, s5;
	[dreg:$0x0] =	wrdreg $0x0  }
0xa8: {  	s5 =	sshll.u32 s28, $0x1;
	[dreg:$0x2] =	wrdreg s3  }
0xa9: {  	[dreg:$0x3] =	wrdreg s5  }
0xaa: {  	[dreg:$0x4] =	wrdreg $0xC0  }
0xab: {  	_ =	task [dreg:s7], $0x5FFFF  }
0xac: {  	[dreg:$0x1] =	wrdreg $0xFFFFFFFF  }
0xad: {  	[dreg:$0x0] =	wrdreg $0x60  }
0xae: {  	[dreg:$0x2] =	wrdreg s24  }
0xaf: {  	[dreg:$0x3] =	wrdreg s2  }
0xb0: {  	[dreg:$0x4] =	wrdreg $0x0  }
0xb1: {  	[dreg:$0x5] =	wrdreg $0x9  }
0xb2: {  	_ =	task.clear_ibuf [dreg:s7], $0x6FFFF;
	_ =	strace $0x90000049  }
0xb3: {  	s29 =	simm.s32 $0x9;
	_ =	strace $0x8000004B  }
0xb4: {  	_ =	swait.ge [sflag:s29], $0x1  }
0xb5: {  	[sflag:s29] =	ssyncadd.s32 $0xFFFFFFFF  }
0xb6: {  	_ =	strace $0x9000004B  }
0xb7: {  	_ =	sfence  }
0xb8: {  	s30 =	sld [smem:$0x0];
	_ =	sdelay $0x2  }
0xb9: {  	s31 =	sshll.u32 s1, $0xD;
	s1 =	sshrl.u32 s1, $0x2  }
0xba: {  	s3 =	sand.u32 $0x4000, s31;
	s1 =	sadd.s32 s1, s30  }
0xbb: {  	s0 =	sor.u32 s3, s0;
	s1 =	sshll.u32 s1, $0x11  }
0xbc: {  	s0 =	sor.u32 s1, s0  }
0xbd: {  	s0 =	sadd.s32 $0x8F2B, s0  }
0xbe: {  	[sflag:s0] =	ssyncadd.remote.s32 $0x1  }
0xbf: {  	_ =	sfence.sel $0xFFFF  }
0xc0: {  	[dreg:$0x0] =	wrdreg $0xFFFFFFFF;
	(pc) =	sbr.abs _section_cstart, $3  }
0xc1: {  	[dreg:$0x1] =	wrdreg $0xFFFFFFFF  }
0xc2: {  	_ =	task.clear_ibuf [dreg:s7], $0x2FFFF;
	_ =	strace $0x9FFFFFFF  }
0xc3: {  	(tm) =	ssettm $0x7FFFFFFF  }
tec
execute0_lowered:
.L_overlay_start_1:
0x0: {  	(tag) =	ssettag $0x1  }
0x1: {  	s0 =	rddreg [dreg:$0x0]  }
0x2: {  	s1 =	rddreg [dreg:$0x1]  }
0x3: {  	s2 =	rddreg [dreg:$0x2];
	s3 =	simm.s32 $0x0;
	s4 =	srdreg.scid  }
0x4: {  	s11 =	stileid.u32;
	s18 =	simm.s32 $0x5;
	s19 =	simm.s32 $0x13C00  }
0x5: {  	s20 =	simm.s32 $0x15000;
	s21 =	simm.s32 $0x80;
	s28 =	simm.s32 $0x2  }
0x6: {  	s29 =	simm.s32 $0x4;
	s30 =	simm.s32 $0x16300;
	s31 =	simm.s32 $0x16380  }
0x7: {  	[smem:$0x7FF] =	sst s3;
	s5 =	sadd.s32 $0xDA00, s0;
	s6 =	sadd.s32 $0x35200, s0  }
0x8: {  	s7 =	sadd.s32 $0x3A00, s0;
	s4 =	sand.u32 $0x1, s4;
	s9 =	smul.u32 $0x4F000, s11  }
0x9: {  	s8 =	sadd.s32 $0x5CA00, s0;
	s0 =	sadd.s32 $0x84200, s0;
	s10 =	smul.u32 $0x2780, s11  }
0xa: {  	s12 =	smul.u32 $0xA0, s11;
	_ =	strace $0x8000004A;
	[dreg:$0x4] =	wrdreg s8  }
0xb: {  	s15 =	sshll.u32 s11, $0x6;
	s22 =	ssub.s32 $0x2, s4;
	[dreg:$0x5] =	wrdreg s0  }
0xc: {  	p0 =	seq.s32 s4, $0x1;
	s23 =	sshrl.u32 s22, $0x1;
	s24 =	sshrl.u32 s9, $0x2  }
.Ltmp0:
0xd: {  	s25 =	sadd.s32 s5, s10;
	s26 =	sadd.s32 s6, s10;
	(pc) =	sbr.rel .LBB2_1-.Ltmp0, $4  }
0xe: {  	s0 =	ssub.s32 s22, s23;
	s4 =	sadd.s32 s24, s2;
	[dreg:$0x6] =	wrdreg s25  }
0xf: {  	[dreg:$0x7] =	wrdreg s26;
	s22 =	simm.s32 $0x16400;
	s23 =	simm.s32 $0x13C80  }
0x10: {  	s24 =	simm.s32 $0x1A400;
	s25 =	simm.s32 $0x1;
	s26 =	simm.s32 $0x3  }
0x11: {  	s14 =	smax.u32 s0, $0x1;
	s0 =	sor.u32 $0x1C05, s15;
	s17 =	sshrl.u32 s4, $0x3  }
.LBB2_12:
0x12: {  	s3 =	sadd.s32 $0x1, s3  }
0x13: {  	p1 =	sne.s32 s3, s14  }
.Ltmp1:
0x14: {  	s4 =	sadd.s32 s4, s10;
	[bflag:$0x0] =	sbarrier.arrive $0xFFFF;
	(pc) =	sbr.rel @!p1 .LBB2_13-.Ltmp1, $4  }
0x15: {  	[hbm:s4], [sflag:s16] =	dma.local [spmem:s17], $0x2780  }
0x16: {  	_ =	swait.ge [sflag:s18], $0x2780  }
0x17: {  	[sflag:s18] =	ssyncset.done $0x0  }
0x18: {  	[sflag:s18] =	ssyncadd.s32 $0xFFFFD880  }
.LBB2_1:
.Ltmp2:
0x19: {  	(pc) =	sbr.rel @!p0 .LBB2_2-.Ltmp2, $1  }
0x1a: {  	_ =	sdelay $0x3  }
0x1b: {  	s4 =	rddreg [dreg:$0x7]  }
0x1c: {  	[spmem:s17], [sflag:s0] =	dma.local [hbm:s4], $0x2780  }
0x1d: {  	_ =	swait.ge [sflag:s18], $0x2780  }
0x1e: {  	[sflag:s18] =	ssyncset.done $0x0  }
0x1f: {  	[sflag:s18] =	ssyncadd.s32 $0xFFFFD880  }
0x20: {  	s8 =	simm.s32 $0x0;
	s4 =	simm.s32 $0x0;
	[bflag:$0x0] =	sbarrier.arrive $0xFFFF  }
.LBB2_8:
0x21: {  	s9 =	smul.u32 $0x28, s8;
	_ =	sdelay $0x1  }
0x22: {  	s9 =	sadd.s32 s12, s9  }
0x23: {  	s9 =	sshll.u32 s9, $0x4  }
0x24: {  	s11 =	sadd.s32 s7, s9  }
0x25: {  	[tilespmem:s19], [sflag:$0x5] =	stream.linear.gather [hbm4b:s11+s4], $0x1400, $0x38;
	[tilespmem:$0x1E400] =	vst v63  }
0x26: {  	_ =	swait.ge [sflag:s18], $0x1400  }
0x27: {  	[sflag:s18] =	ssyncset.done $0x0  }
0x28: {  	s9 =	sadd.s32 s1, s9;
	[sflag:s18] =	ssyncadd.s32 $0xFFFFEC00  }
0x29: {  	[tilespmem:s20], [sflag:$0x5] =	stream.linear.gather [hbm4b:s9+s4], $0x1400, $0x38;
	[tilespmem:$0x1E400] =	vst v63  }
0x2a: {  	_ =	swait.ge [sflag:s18], $0x1400  }
0x2b: {  	[sflag:s18] =	ssyncset.done $0x0  }
0x2c: {  	[sflag:s18] =	ssyncadd.s32 $0xFFFFEC00  }
0x2d: {  	[tilespmem:s22], [sflag:$0x1] =	stream.indirect.gather [hbm4b:s6+s21], $0x80, s19, s21, $0xb8;
	[tilespmem:$0x1E400] =	vst v63  }
0x2e: {  	_ = 	snop  }
0x2f: {  	[tilespmem:s24], [sflag:$0x2] =	stream.indirect.gather [hbm4b:s6+s21], $0x80, s23, s21, $0xb8;
	[tilespmem:$0x1E400] =	vst v63  }
0x30: {  	_ =	swait.ge [sflag:s25], $0x4000  }
0x31: {  	[sflag:s25] =	ssyncset.done $0x0  }
0x32: {  	s11 =	simm.s32 $0x15000;
	[sflag:s25] =	ssyncadd.s32 $0xFFFFC000  }
0x33: {  	[spmem:s2] =	stream.indirect.scatter.add.f32 [tilespmem:s22], [sflag:$0x3], $0x80, s11, s21, $0xb8;
	[tilespmem:$0x1E400] =	vst v63  }
0x34: {  	_ =	swait.ge [sflag:s26], $0x4000  }
0x35: {  	[sflag:s26] =	ssyncset.done $0x0  }
0x36: {  	s13 =	simm.s32 $0x13D00;
	[sflag:s26] =	ssyncadd.s32 $0xFFFFC000  }
0x37: {  	[tilespmem:s22], [sflag:$0x1] =	stream.indirect.gather [hbm4b:s6+s21], $0x80, s13, s21, $0xb8;
	[tilespmem:$0x1E400] =	vst v63  }
0x38: {  	_ =	swait.ge [sflag:s28], $0x4000  }
0x39: {  	[sflag:s28] =	ssyncset.done $0x0  }
0x3a: {  	s16 =	simm.s32 $0x15080;
	[sflag:s28] =	ssyncadd.s32 $0xFFFFC000  }
0x3b: {  	[spmem:s2] =	stream.indirect.scatter.add.f32 [tilespmem:s24], [sflag:$0x4], $0x80, s16, s21, $0xb8;
	[tilespmem:$0x1E400] =	vst v63  }
0x3c: {  	_ =	swait.ge [sflag:s29], $0x4000  }
0x3d: {  	[sflag:s29] =	ssyncset.done $0x0  }
0x3e: {  	s9 =	simm.s32 $0x400;
	s11 =	simm.s32 $0x13D80;
	[sflag:s29] =	ssyncadd.s32 $0xFFFFC000  }
.LBB2_9:
0x3f: {  	[tilespmem:s24], [sflag:$0x2] =	stream.indirect.gather [hbm4b:s6+s21], $0x80, s11, s21, $0xb8;
	[tilespmem:$0x1E400] =	vst v63  }
0x40: {  	s11 =	smov.u32 s9  }
0x41: {  	p1 =	sne.s32 s9, $0x4800;
	s9 =	sadd.s32 $0x400, s9;
	_ =	swait.ge [sflag:s25], $0x4000  }
0x42: {  	s11 =	sshra.s32 s11, $0x2;
	[sflag:s25] =	ssyncset.done $0x0  }
0x43: {  	s13 =	sadd.s32 $0x15000, s11;
	[sflag:s25] =	ssyncadd.s32 $0xFFFFC000  }
0x44: {  	[spmem:s2] =	stream.indirect.scatter.add.f32 [tilespmem:s22], [sflag:$0x3], $0x80, s13, s21, $0xb8;
	[tilespmem:$0x1E400] =	vst v63  }
0x45: {  	_ =	swait.ge [sflag:s26], $0x4000  }
0x46: {  	[sflag:s26] =	ssyncset.done $0x0  }
0x47: {  	s13 =	sadd.s32 $0x13D00, s11;
	[sflag:s26] =	ssyncadd.s32 $0xFFFFC000  }
0x48: {  	[tilespmem:s22], [sflag:$0x1] =	stream.indirect.gather [hbm4b:s6+s21], $0x80, s13, s21, $0xb8;
	[tilespmem:$0x1E400] =	vst v63  }
0x49: {  	_ =	swait.ge [sflag:s28], $0x4000  }
0x4a: {  	[sflag:s28] =	ssyncset.done $0x0  }
.Ltmp3:
0x4b: {  	s13 =	sadd.s32 $0x15080, s11;
	[sflag:s28] =	ssyncadd.s32 $0xFFFFC000;
	(pc) =	sbr.rel @p1 .LBB2_9-.Ltmp3, $4  }
0x4c: {  	[spmem:s2] =	stream.indirect.scatter.add.f32 [tilespmem:s24], [sflag:$0x4], $0x80, s13, s21, $0xb8;
	[tilespmem:$0x1E400] =	vst v63  }
0x4d: {  	_ =	swait.ge [sflag:s29], $0x4000  }
0x4e: {  	[sflag:s29] =	ssyncset.done $0x0  }
0x4f: {  	s11 =	sadd.s32 $0x13D80, s11;
	[sflag:s29] =	ssyncadd.s32 $0xFFFFC000  }
0x50: {  	[tilespmem:s24], [sflag:$0x2] =	stream.indirect.gather [hbm4b:s6+s21], $0x80, s11, s21, $0xb8;
	[tilespmem:$0x1E400] =	vst v63  }
0x51: {  	_ =	swait.ge [sflag:s25], $0x4000  }
0x52: {  	[sflag:s25] =	ssyncset.done $0x0  }
0x53: {  	[sflag:s25] =	ssyncadd.s32 $0xFFFFC000  }
0x54: {  	[spmem:s2] =	stream.indirect.scatter.add.f32 [tilespmem:s22], [sflag:$0x3], $0x80, s30, s21, $0xb8;
	[tilespmem:$0x1E400] =	vst v63  }
0x55: {  	_ =	swait.ge [sflag:s28], $0x4000  }
0x56: {  	[sflag:s28] =	ssyncset.done $0x0  }
0x57: {  	s8 =	sadd.s32 $0x1, s8;
	[sflag:s28] =	ssyncadd.s32 $0xFFFFC000  }
0x58: {  	[spmem:s2] =	stream.indirect.scatter.add.f32 [tilespmem:s24], [sflag:$0x4], $0x80, s31, s21, $0xb8;
	[tilespmem:$0x1E400] =	vst v63  }
0x59: {  	p1 =	sne.s32 s8, $0x4;
	_ =	swait.ge [sflag:s26], $0x4000  }
.Ltmp4:
0x5a: {  	[sflag:s26] =	ssyncset.done $0x0;
	(pc) =	sbr.rel @p1 .LBB2_8-.Ltmp4, $4  }
0x5b: {  	[sflag:s26] =	ssyncadd.s32 $0xFFFFC000  }
0x5c: {  	_ =	swait.ge [sflag:s29], $0x4000  }
0x5d: {  	[sflag:s29] =	ssyncset.done $0x0  }
0x5e: {  	[sflag:s29] =	ssyncadd.s32 $0xFFFFC000  }
.Ltmp5:
0x5f: {  	(pc) =	sbr.rel .LBB2_12-.Ltmp5, $2  }
0x60: {  	_ =	sdelay $0x2  }
0x61: {  	s4 =	rddreg [dreg:$0x5];
	s16 =	smov.u32 s0  }
.LBB2_2:
0x62: {  	s16 =	sor.u32 $0x1C05, s15;
	s4 =	rddreg [dreg:$0x6]  }
0x63: {  	[spmem:s17], [sflag:s16] =	dma.local [hbm:s4], $0x2780  }
0x64: {  	_ =	swait.ge [sflag:s18], $0x2780  }
0x65: {  	[sflag:s18] =	ssyncset.done $0x0  }
0x66: {  	[sflag:s18] =	ssyncadd.s32 $0xFFFFD880  }
0x67: {  	s8 =	simm.s32 $0x0;
	s4 =	simm.s32 $0x0;
	[bflag:$0x0] =	sbarrier.arrive $0xFFFF  }
.LBB2_3:
0x68: {  	s9 =	smul.u32 $0x28, s8;
	_ =	sdelay $0x1  }
0x69: {  	s9 =	sadd.s32 s12, s9  }
0x6a: {  	s9 =	sshll.u32 s9, $0x4  }
0x6b: {  	s11 =	sadd.s32 s7, s9  }
0x6c: {  	[tilespmem:s19], [sflag:$0x5] =	stream.linear.gather [hbm4b:s11+s4], $0x1400, $0x38;
	[tilespmem:$0x1E400] =	vst v63  }
0x6d: {  	_ =	swait.ge [sflag:s18], $0x1400  }
0x6e: {  	[sflag:s18] =	ssyncset.done $0x0  }
0x6f: {  	s9 =	sadd.s32 s1, s9;
	[sflag:s18] =	ssyncadd.s32 $0xFFFFEC00  }
0x70: {  	[tilespmem:s20], [sflag:$0x5] =	stream.linear.gather [hbm4b:s9+s4], $0x1400, $0x38;
	[tilespmem:$0x1E400] =	vst v63  }
0x71: {  	_ =	swait.ge [sflag:s18], $0x1400  }
0x72: {  	[sflag:s18] =	ssyncset.done $0x0  }
0x73: {  	[sflag:s18] =	ssyncadd.s32 $0xFFFFEC00  }
0x74: {  	[tilespmem:s22], [sflag:$0x1] =	stream.indirect.gather [hbm4b:s5+s21], $0x80, s19, s21, $0xb8;
	[tilespmem:$0x1E400] =	vst v63  }
0x75: {  	_ = 	snop  }
0x76: {  	[tilespmem:s24], [sflag:$0x2] =	stream.indirect.gather [hbm4b:s5+s21], $0x80, s23, s21, $0xb8;
	[tilespmem:$0x1E400] =	vst v63  }
0x77: {  	_ =	swait.ge [sflag:s25], $0x4000  }
0x78: {  	[sflag:s25] =	ssyncset.done $0x0  }
0x79: {  	s13 =	simm.s32 $0x15000;
	[sflag:s25] =	ssyncadd.s32 $0xFFFFC000  }
0x7a: {  	[spmem:s2] =	stream.indirect.scatter.add.f32 [tilespmem:s22], [sflag:$0x3], $0x80, s13, s21, $0xb8;
	[tilespmem:$0x1E400] =	vst v63  }
0x7b: {  	_ =	swait.ge [sflag:s26], $0x4000  }
0x7c: {  	[sflag:s26] =	ssyncset.done $0x0  }
0x7d: {  	s11 =	simm.s32 $0x13D00;
	[sflag:s26] =	ssyncadd.s32 $0xFFFFC000  }
0x7e: {  	[tilespmem:s22], [sflag:$0x1] =	stream.indirect.gather [hbm4b:s5+s21], $0x80, s11, s21, $0xb8;
	[tilespmem:$0x1E400] =	vst v63  }
0x7f: {  	_ =	swait.ge [sflag:s28], $0x4000  }
0x80: {  	[sflag:s28] =	ssyncset.done $0x0  }
0x81: {  	s13 =	simm.s32 $0x15080;
	[sflag:s28] =	ssyncadd.s32 $0xFFFFC000  }
0x82: {  	[spmem:s2] =	stream.indirect.scatter.add.f32 [tilespmem:s24], [sflag:$0x4], $0x80, s13, s21, $0xb8;
	[tilespmem:$0x1E400] =	vst v63  }
0x83: {  	_ =	swait.ge [sflag:s29], $0x4000  }
0x84: {  	[sflag:s29] =	ssyncset.done $0x0  }
0x85: {  	s9 =	simm.s32 $0x400;
	s11 =	simm.s32 $0x13D80;
	[sflag:s29] =	ssyncadd.s32 $0xFFFFC000  }
.LBB2_4:
0x86: {  	[tilespmem:s24], [sflag:$0x2] =	stream.indirect.gather [hbm4b:s5+s21], $0x80, s11, s21, $0xb8;
	[tilespmem:$0x1E400] =	vst v63  }
0x87: {  	s11 =	smov.u32 s9  }
0x88: {  	p1 =	sne.s32 s9, $0x4800;
	s9 =	sadd.s32 $0x400, s9;
	_ =	swait.ge [sflag:s25], $0x4000  }
0x89: {  	s11 =	sshra.s32 s11, $0x2;
	[sflag:s25] =	ssyncset.done $0x0  }
0x8a: {  	s13 =	sadd.s32 $0x15000, s11;
	[sflag:s25] =	ssyncadd.s32 $0xFFFFC000  }
0x8b: {  	[spmem:s2] =	stream.indirect.scatter.add.f32 [tilespmem:s22], [sflag:$0x3], $0x80, s13, s21, $0xb8;
	[tilespmem:$0x1E400] =	vst v63  }
0x8c: {  	_ =	swait.ge [sflag:s26], $0x4000  }
0x8d: {  	[sflag:s26] =	ssyncset.done $0x0  }
0x8e: {  	s13 =	sadd.s32 $0x13D00, s11;
	[sflag:s26] =	ssyncadd.s32 $0xFFFFC000  }
0x8f: {  	[tilespmem:s22], [sflag:$0x1] =	stream.indirect.gather [hbm4b:s5+s21], $0x80, s13, s21, $0xb8;
	[tilespmem:$0x1E400] =	vst v63  }
0x90: {  	_ =	swait.ge [sflag:s28], $0x4000  }
0x91: {  	[sflag:s28] =	ssyncset.done $0x0  }
.Ltmp6:
0x92: {  	s13 =	sadd.s32 $0x15080, s11;
	[sflag:s28] =	ssyncadd.s32 $0xFFFFC000;
	(pc) =	sbr.rel @p1 .LBB2_4-.Ltmp6, $4  }
0x93: {  	[spmem:s2] =	stream.indirect.scatter.add.f32 [tilespmem:s24], [sflag:$0x4], $0x80, s13, s21, $0xb8;
	[tilespmem:$0x1E400] =	vst v63  }
0x94: {  	_ =	swait.ge [sflag:s29], $0x4000  }
0x95: {  	[sflag:s29] =	ssyncset.done $0x0  }
0x96: {  	s11 =	sadd.s32 $0x13D80, s11;
	[sflag:s29] =	ssyncadd.s32 $0xFFFFC000  }
0x97: {  	[tilespmem:s24], [sflag:$0x2] =	stream.indirect.gather [hbm4b:s5+s21], $0x80, s11, s21, $0xb8;
	[tilespmem:$0x1E400] =	vst v63  }
0x98: {  	_ =	swait.ge [sflag:s25], $0x4000  }
0x99: {  	[sflag:s25] =	ssyncset.done $0x0  }
0x9a: {  	[sflag:s25] =	ssyncadd.s32 $0xFFFFC000  }
0x9b: {  	[spmem:s2] =	stream.indirect.scatter.add.f32 [tilespmem:s22], [sflag:$0x3], $0x80, s30, s21, $0xb8;
	[tilespmem:$0x1E400] =	vst v63  }
0x9c: {  	_ =	swait.ge [sflag:s28], $0x4000  }
0x9d: {  	[sflag:s28] =	ssyncset.done $0x0  }
0x9e: {  	s8 =	sadd.s32 $0x1, s8;
	[sflag:s28] =	ssyncadd.s32 $0xFFFFC000  }
0x9f: {  	[spmem:s2] =	stream.indirect.scatter.add.f32 [tilespmem:s24], [sflag:$0x4], $0x80, s31, s21, $0xb8;
	[tilespmem:$0x1E400] =	vst v63  }
0xa0: {  	p1 =	seq.s32 s8, $0x4;
	_ =	swait.ge [sflag:s26], $0x4000  }
.Ltmp7:
0xa1: {  	[sflag:s26] =	ssyncset.done $0x0;
	(pc) =	sbr.rel @!p1 .LBB2_3-.Ltmp7, $4  }
0xa2: {  	[sflag:s26] =	ssyncadd.s32 $0xFFFFC000  }
0xa3: {  	_ =	swait.ge [sflag:s29], $0x4000  }
0xa4: {  	[sflag:s29] =	ssyncset.done $0x0  }
0xa5: {  	[sflag:s29] =	ssyncadd.s32 $0xFFFFC000  }
.Ltmp8:
0xa6: {  	(pc) =	sbr.rel .LBB2_12-.Ltmp8, $2  }
0xa7: {  	_ =	sdelay $0x2  }
0xa8: {  	s4 =	rddreg [dreg:$0x4]  }
.LBB2_13:
0xa9: {  	_ =	sfence.sel $0x180000  }
0xaa: {  	[bflag:$0x0] =	sbarrier.arrive $0xFFFF  }
0xab: {  	_ =	strace $0x9000004A  }
0xac: {  	s0 =	stileid.u32;
	[bflag:$0x2] =	sbarrier.arrive $0xFFFF  }
0xad: {  	p0 =	sne.s32 s0, $0x0;
	s0 =	rddreg [dreg:$0x3]  }
0xae: {  	s0 =	sadd.s32 @!p0 $0x100000, s0  }
0xaf: {  	[sflag:s0] =	ssyncadd.tile.s32 @!p0 $0x1;
	_ =	shalt  }
.Lfunc_end2:
_tile_overlayer_lowered:
.L_overlay_start_2:
0xb0: {  	(tag) =	ssettag $0x2  }
0xb1: {  	s0 =	rddreg [dreg:$0x0];
	s2 =	stileid.u32  }
0xb2: {  	s1 =	rddreg [dreg:$0x1];
	p0 =	sne.s32 s2, $0x0  }
0xb3: {  	s3 =	rddreg [dreg:$0x2];
	[bflag:$0x3] =	sbarrier.arrive $0xFFFF;
	s2 =	simm.s32 @!p0 $0x1C05  }
0xb4: {  	[timem:s3], [sflag:s2] =	dma.local @!p0 [hbm:s0], s1  }
0xb5: {  	s0 =	simm.s32 @!p0 $0x5  }
0xb6: {  	_ =	swait.ge @!p0 [sflag:s0], s1  }
0xb7: {  	s1 =	ssub.s32 @!p0 $0x0, s1;
	[sflag:s0] =	ssyncset.done @!p0 $0x0  }
0xb8: {  	[sflag:s0] =	ssyncadd.s32 @!p0 s1  }
0xb9: {  	[bflag:$0x3] =	sbarrier.arrive $0xFFFF  }
0xba: {  	_ =	shalt  }

</sc_bundles>
